<compile_context>
chip_gen: v7x
topology: tpu7x:2x2x1
jax: 0.10.2.dev20260603
libtpu: 0.0.44.dev20260713+nightly
codegen_flags: <defaults>
</compile_context>

<pallas_src>
import functools

import jax
import jax.numpy as jnp
from jax import lax
from jax.experimental import pallas as pl
from jax.experimental.pallas import tpu as pltpu
from jax.experimental.pallas import tpu_sc as plsc

NC = 2
NS = 16
NW = NC * NS
CHUNK = 128
BN = 1000


def _sc_mesh():
    return plsc.VectorSubcoreMesh(
        core_axis_name="c", subcore_axis_name="s", num_cores=NC, num_subcores=NS
    )


def _worker_range(w, nch_tot):
    nfull, rem = nch_tot // NW, nch_tot % NW
    base = jnp.where(w < rem, w * (nfull + 1), w * nfull + rem)
    nch = jnp.where(w < rem, nfull + 1, nfull)
    return base, nch, nfull, rem


@functools.lru_cache(maxsize=None)
def _make_deg_kernel(nch_tot, acc_rows, rps):
    nfull = nch_tot // NW
    slab = nfull + (1 if nch_tot % NW else 0)

    @functools.partial(
        pl.kernel,
        out_type=jax.ShapeDtypeStruct((NC, acc_rows, 16), jnp.float32),
        mesh=_sc_mesh(),
        compiler_params=pltpu.CompilerParams(use_tc_tiling_on_sc=False),
        scratch_types=[
            pltpu.VMEM((slab, CHUNK), jnp.int32),
            pltpu.VMEM((CHUNK, 16), jnp.float32),
            pltpu.VMEM_SHARED((acc_rows, 16), jnp.float32),
            pltpu.SemaphoreType.DMA,
        ],
    )
    def deg_kernel(zeros_hbm, ones_hbm, eidx_hbm, out_hbm, dst_v, ones_v,
                   acc_sh, sem):
        c = lax.axis_index("c")
        s = lax.axis_index("s")
        w = c * NS + s
        rbase = s * rps
        base, nch, _, rem = _worker_range(w, nch_tot)
        zcp = pltpu.async_copy(zeros_hbm, acc_sh.at[pl.ds(rbase, rps)], sem)
        pltpu.sync_copy(ones_hbm, ones_v)
        if nch_tot % NW:
            @pl.when(w < rem)
            def _():
                pltpu.sync_copy(eidx_hbm.at[1, pl.ds(base, slab)], dst_v)

            @pl.when(w >= rem)
            def _():
                pltpu.sync_copy(
                    eidx_hbm.at[1, pl.ds(base, nfull)],
                    dst_v.at[pl.ds(0, nfull)],
                )
        else:
            pltpu.sync_copy(eidx_hbm.at[1, pl.ds(base, slab)], dst_v)
        zcp.wait()
        plsc.subcore_barrier()

        @pl.loop(0, nch)
        def _(j):
            pltpu.sync_copy(ones_v, acc_sh.at[dst_v.at[j]], add=True)

        plsc.subcore_barrier()
        pltpu.sync_copy(
            acc_sh.at[pl.ds(rbase, rps)], out_hbm.at[c, pl.ds(rbase, rps)]
        )

    return deg_kernel


@functools.lru_cache(maxsize=None)
def _make_segsum_kernel(d, nch_tot, acc_rows, rps, n_tab):
    assert n_tab % NS == 0
    tps = n_tab // NS
    nfull = nch_tot // NW
    assert nfull >= 2 and nfull % 2 == 0
    slab = nfull + (1 if nch_tot % NW else 0)

    @functools.partial(
        pl.kernel,
        out_type=jax.ShapeDtypeStruct((NC, acc_rows, d), jnp.float32),
        mesh=_sc_mesh(),
        compiler_params=pltpu.CompilerParams(use_tc_tiling_on_sc=False),
        scratch_types=[
            pltpu.VMEM((slab, CHUNK), jnp.int32),
            pltpu.VMEM((slab, CHUNK), jnp.int32),
            pltpu.VMEM((CHUNK, d), jnp.float32),
            pltpu.VMEM((CHUNK, d), jnp.float32),
            pltpu.VMEM_SHARED((n_tab, d), jnp.float32),
            pltpu.VMEM_SHARED((acc_rows, d), jnp.float32),
            pltpu.SemaphoreType.DMA,
            pltpu.SemaphoreType.DMA,
        ],
    )
    def segsum_kernel(
        table_hbm, zeros_hbm, eidx_hbm, out_hbm,
        src_v, dst_v, rows_a, rows_b, tab_sh, acc_sh, sem_a, sem_b,
    ):
        c = lax.axis_index("c")
        s = lax.axis_index("s")
        w = c * NS + s
        rbase = s * rps
        base, _, _, rem = _worker_range(w, nch_tot)
        tbase = s * tps
        tcp = pltpu.async_copy(
            table_hbm.at[pl.ds(tbase, tps)], tab_sh.at[pl.ds(tbase, tps)], sem_b
        )
        zcp = pltpu.async_copy(zeros_hbm, acc_sh.at[pl.ds(rbase, rps)], sem_a)
        if nch_tot % NW:
            @pl.when(w < rem)
            def _():
                pltpu.sync_copy(eidx_hbm.at[0, pl.ds(base, slab)], src_v)
                pltpu.sync_copy(eidx_hbm.at[1, pl.ds(base, slab)], dst_v)

            @pl.when(w >= rem)
            def _():
                pltpu.sync_copy(
                    eidx_hbm.at[0, pl.ds(base, nfull)],
                    src_v.at[pl.ds(0, nfull)],
                )
                pltpu.sync_copy(
                    eidx_hbm.at[1, pl.ds(base, nfull)],
                    dst_v.at[pl.ds(0, nfull)],
                )
        else:
            pltpu.sync_copy(eidx_hbm.at[0, pl.ds(base, slab)], src_v)
            pltpu.sync_copy(eidx_hbm.at[1, pl.ds(base, slab)], dst_v)
        zcp.wait()
        tcp.wait()
        plsc.subcore_barrier()

        pltpu.async_copy(tab_sh.at[src_v.at[0]], rows_a, sem_a)
        pltpu.async_copy(tab_sh.at[src_v.at[1]], rows_b, sem_b)

        @pl.loop(0, nfull, step=2)
        def _(j):
            pltpu.make_async_copy(
                tab_sh.at[src_v.at[j]], rows_a, sem_a
            ).wait()
            pltpu.sync_copy(rows_a, acc_sh.at[dst_v.at[j]], add=True)

            @pl.when(j + 2 < nfull)
            def _():
                pltpu.async_copy(tab_sh.at[src_v.at[j + 2]], rows_a, sem_a)

            pltpu.make_async_copy(
                tab_sh.at[src_v.at[j + 1]], rows_b, sem_b
            ).wait()
            pltpu.sync_copy(rows_b, acc_sh.at[dst_v.at[j + 1]], add=True)

            @pl.when(j + 3 < nfull)
            def _():
                pltpu.async_copy(tab_sh.at[src_v.at[j + 3]], rows_b, sem_b)

        if nch_tot % NW:
            @pl.when(w < rem)
            def _():
                pltpu.async_copy(
                    tab_sh.at[src_v.at[nfull]], rows_a, sem_a
                ).wait()
                pltpu.sync_copy(rows_a, acc_sh.at[dst_v.at[nfull]], add=True)

        plsc.subcore_barrier()
        pltpu.sync_copy(
            acc_sh.at[pl.ds(rbase, rps)], out_hbm.at[c, pl.ds(rbase, rps)]
        )

    return segsum_kernel


def _matmul_packed(x3, w):
    rows, pk, f_in = x3.shape
    hid = w.shape[1]

    def body(x3_ref, w_ref, o_ref):
        wv = w_ref[...]
        parts = [
            jnp.dot(
                x3_ref[:, k, :], wv, preferred_element_type=jnp.float32
            )
            for k in range(pk)
        ]
        o_ref[...] = jnp.concatenate(parts, axis=1)

    return pl.pallas_call(
        body,
        out_shape=jax.ShapeDtypeStruct((rows, pk * hid), jnp.float32),
    )(x3, w)


def _dinv_and_scale(degp, xwp):
    rows = xwp.shape[0]

    def body(degp_ref, xw_ref, dinv_ref, xws_ref):
        deg = degp_ref[0, :rows, :] + degp_ref[1, :rows, :] + 1.0
        dinv = lax.rsqrt(deg)
        dinv_ref[...] = dinv
        xws_ref[...] = xw_ref[...] * dinv

    return pl.pallas_call(
        body,
        out_shape=(
            jax.ShapeDtypeStruct((rows, 128), jnp.float32),
            jax.ShapeDtypeStruct((rows, 128), jnp.float32),
        ),
    )(degp, xwp)


def _combine_relu_scale(accp, xwp, dinvp, bt):
    rows = xwp.shape[0]

    def body(accp_ref, xw_ref, dinv_ref, b_ref, hs_ref, dh2_ref):
        dv = dinv_ref[...]
        agg = accp_ref[0, :rows, :] + accp_ref[1, :rows, :]
        h = dv * agg + (dv * dv) * xw_ref[...] + b_ref[...]
        h = jnp.maximum(h, 0.0)
        hs_ref[...] = h * dv
        dh2_ref[...] = h * (dv * dv)

    return pl.pallas_call(
        body,
        out_shape=(
            jax.ShapeDtypeStruct((rows, 128), jnp.float32),
            jax.ShapeDtypeStruct((rows, 128), jnp.float32),
        ),
    )(accp, xwp, dinvp, bt)


def _final_mm_logsoftmax(accp, dh2p, dinvp, w2, b):
    rows = dh2p.shape[0]
    hid = w2.shape[0]
    cls = w2.shape[1]
    pk = 128 // hid

    def body(accp_ref, dh2_ref, dinv_ref, w2_ref, b_ref, *outs):
        dv = dinv_ref[...]
        agg = accp_ref[0, :rows, :] + accp_ref[1, :rows, :]
        t = dv * agg + dh2_ref[...]
        wv = w2_ref[...]
        bv = b_ref[...]
        for k in range(pk):
            z = (
                jnp.dot(
                    t[:, k * hid:(k + 1) * hid], wv,
                    preferred_element_type=jnp.float32,
                )
                + bv
            )
            m = jnp.max(z, axis=1, keepdims=True)
            shifted = z - m
            lse = jnp.log(jnp.sum(jnp.exp(shifted), axis=1, keepdims=True))
            outs[k][...] = shifted - lse

    return pl.pallas_call(
        body,
        out_shape=tuple(
            jax.ShapeDtypeStruct((rows, cls), jnp.float32) for _ in range(pk)
        ),
    )(accp, dh2p, dinvp, w2, b)


def kernel(x, edge_index, W1, b1, W2, b2):
    n, f_in = x.shape
    e = edge_index.shape[1]
    hid = W1.shape[1]
    cls = W2.shape[1]

    if e % CHUNK:
        pad = CHUNK - e % CHUNK
        pad_edges = jnp.concatenate(
            [jnp.zeros((1, pad), jnp.int32),
             jnp.full((1, pad), n, jnp.int32)],
            axis=0,
        )
        edge_index = jnp.concatenate([edge_index, pad_edges], axis=1)
        e += pad
    nch_tot = e // CHUNK
    eidx = edge_index.reshape(2, nch_tot, CHUNK)

    rps = -(-(n + 1) // (NS * 8)) * 8
    acc_rows = rps * NS

    zeros16 = jnp.zeros((rps, 16), jnp.float32)
    ones16 = jnp.ones((CHUNK, 16), jnp.float32)

    pk = 128 // hid
    prows = n // pk
    arows = acc_rows // pk
    x3 = x.reshape(prows, pk, f_in)
    b1t = jnp.tile(b1, pk).reshape(1, 128)

    degp = _make_deg_kernel(nch_tot, acc_rows, rps)(zeros16, ones16, eidx)
    xw1p = _matmul_packed(x3, W1)
    dinvp, xws1p = _dinv_and_scale(degp.reshape(NC, arows, 128), xw1p)
    acc1 = _make_segsum_kernel(hid, nch_tot, acc_rows, rps, n)(
        xws1p.reshape(n, hid), zeros16, eidx
    )
    hsp, dh2p = _combine_relu_scale(
        acc1.reshape(NC, arows, 128), xw1p, dinvp, b1t
    )
    acc2 = _make_segsum_kernel(hid, nch_tot, acc_rows, rps, n)(
        hsp.reshape(n, hid), zeros16, eidx
    )
    outs = _final_mm_logsoftmax(
        acc2.reshape(NC, arows, 128), dh2p, dinvp, W2, b2.reshape(1, cls)
    )
    return jnp.stack(outs, axis=1).reshape(n, cls)

# --- scband reference (transcript-rebuilt; emitter-appended) ---
"""Pipeline reference for scband-gcn-30116310680051 (READ-ONLY COPY).

The authoritative reference and input builder live on the scoring server;
editing this copy changes nothing except your own understanding.
"""

import jax, jax.numpy as jnp
import numpy as np

N = 10000
E = 320000
F_IN = 128
HID = 16
CLS = 64


def setup_inputs(seed: int = 0) -> dict:
    key = jax.random.key(seed)
    k1, k2, k3, k4 = jax.random.split(key, 4)
    x = jax.random.normal(k1, (N, F_IN), dtype=jnp.float32)
    edge_index = jax.random.randint(k2, (2, E), 0, N, dtype=jnp.int32)
    # GCNConv params: glorot-style weights, zero bias
    W1 = jax.random.normal(k3, (F_IN, HID), dtype=jnp.float32) * (1.0 / np.sqrt(F_IN))
    b1 = jnp.zeros((HID,), dtype=jnp.float32)
    W2 = jax.random.normal(k4, (HID, CLS), dtype=jnp.float32) * (1.0 / np.sqrt(HID))
    b2 = jnp.zeros((CLS,), dtype=jnp.float32)
    return {"x": x, "edge_index": edge_index, "W1": W1, "b1": b1, "W2": W2, "b2": b2}


def _gcn_conv(x, edge_index, W, b):
    # GCNConv: add self-loops, symmetric normalization D^-1/2 (A+I) D^-1/2 x W + b
    n = x.shape[0]
    src = edge_index[0]
    dst = edge_index[1]
    loop = jnp.arange(n, dtype=src.dtype)
    src = jnp.concatenate([src, loop])
    dst = jnp.concatenate([dst, loop])
    xw = x @ W
    deg = jnp.zeros((n,), dtype=xw.dtype).at[dst].add(1.0)
    dinv = jnp.where(deg > 0, jax.lax.rsqrt(deg), 0.0)
    norm = dinv[src] * dinv[dst]
    msgs = xw[src] * norm[:, None]
    out = jax.ops.segment_sum(msgs, dst, num_segments=n)
    return out + b


def reference(x, edge_index, W1, b1, W2, b2):
    h = _gcn_conv(x, edge_index, W1, b1)
    h = jax.nn.relu(h)
    # dropout is identity in inference mode
    h = _gcn_conv(h, edge_index, W2, b2)
    return jax.nn.log_softmax(h, axis=1)

if __name__ == "__main__":
    import jax
    _d = setup_inputs()
    print(jax.jit(kernel)(*tuple(_d.values())))

</pallas_src>

<mosaic_0001>
#map = affine_map<(d0, d1) -> (0, 0)>
#map1 = affine_map<(d0, d1) -> (0, 0, 0)>
module attributes {stable_mosaic.version = 14 : i64} {
  func.func @segsum_kernel(%arg0: i32, %arg1: i32, %arg2: memref<10000x16xf32, #tpu.memory_space<hbm>>, %arg3: memref<632x16xf32, #tpu.memory_space<hbm>>, %arg4: memref<2x2500x128xi32, #tpu.memory_space<hbm>>, %arg5: memref<2x10112x16xf32, #tpu.memory_space<hbm>>, %arg6: memref<79x128xi32, #tpu.memory_space<vmem>>, %arg7: memref<79x128xi32, #tpu.memory_space<vmem>>, %arg8: memref<128x16xf32, #tpu.memory_space<vmem>>, %arg9: memref<128x16xf32, #tpu.memory_space<vmem>>, %arg10: memref<10000x16xf32, #tpu.memory_space<vmem_shared>>, %arg11: memref<10112x16xf32, #tpu.memory_space<vmem_shared>>, %arg12: memref<!tpu.dma_semaphore, #tpu.memory_space<semaphore_mem>>, %arg13: memref<!tpu.dma_semaphore, #tpu.memory_space<semaphore_mem>>) attributes {dimension_semantics = [#tpu.dimension_semantics<core_parallel>, #tpu.dimension_semantics<subcore_parallel>], iteration_bounds = array<i64: 2, 16>, scalar_prefetch = 0 : i64, scratch_operands = 8 : i64, tpu.core_type = #tpu.core_type<sc_vector_subcore>, window_params = [{transform_indices = #map}, {transform_indices = #map}, {transform_indices = #map1}, {transform_indices = #map1}]} {
    %mul3A = arith.constant 16 : i32
    %mul3A_0 = arith.muli %arg0, %mul3A : i32
    %add3A = arith.addi %mul3A_0, %arg1 : i32
    %mul3A_1 = arith.constant 632 : i32
    %mul3A_2 = arith.muli %arg1, %mul3A_1 : i32
    %lt3A = arith.constant 4 : i32
    %lt3A_3 = arith.cmpi slt, %add3A, %lt3A : i32
    %mul3A_4 = arith.constant 79 : i32
    %mul3A_5 = arith.muli %add3A, %mul3A_4 : i32
    %mul3A_6 = arith.constant 78 : i32
    %mul3A_7 = arith.muli %add3A, %mul3A_6 : i32
    %add3A_8 = arith.constant 4 : i32
    %add3A_9 = arith.addi %mul3A_7, %add3A_8 : i32
    %select_n3A = arith.select %lt3A_3, %mul3A_5, %add3A_9 : i32
    %lt3A_10 = arith.constant 4 : i32
    %lt3A_11 = arith.cmpi slt, %add3A, %lt3A_10 : i32
    %jit3A = arith.constant 79 : i32
    %jit3A_12 = arith.constant 78 : i32
    %select_n3A_13 = arith.select %lt3A_11, %jit3A, %jit3A_12 : i32
    %mul3A_14 = arith.constant 625 : i32
    %mul3A_15 = arith.muli %arg1, %mul3A_14 : i32
    %dma_start3A = arith.constant 0 : i32
    %dma_start3A_16 = tpu.memref_slice %arg10[%mul3A_15, %dma_start3A] : memref<10000x16xf32, #tpu.memory_space<vmem_shared>> -> memref<625x16xf32, #tpu.memory_space<vmem_shared>>
    %dma_start3A_17 = arith.constant 0 : i32
    %dma_start3A_18 = tpu.memref_slice %arg2[%mul3A_15, %dma_start3A_17] : memref<10000x16xf32, #tpu.memory_space<hbm>> -> memref<625x16xf32, #tpu.memory_space<hbm>>
    tpu.enqueue_dma source(%dma_start3A_18 : memref<625x16xf32, #tpu.memory_space<hbm>>) target(%dma_start3A_16 : memref<625x16xf32, #tpu.memory_space<vmem_shared>>) target_semaphore(%arg13 : memref<!tpu.dma_semaphore, #tpu.memory_space<semaphore_mem>>)
    %dma_start3A_19 = arith.constant 0 : i32
    %dma_start3A_20 = tpu.memref_slice %arg11[%mul3A_2, %dma_start3A_19] : memref<10112x16xf32, #tpu.memory_space<vmem_shared>> -> memref<632x16xf32, #tpu.memory_space<vmem_shared>>
    tpu.enqueue_dma source(%arg3 : memref<632x16xf32, #tpu.memory_space<hbm>>) target(%dma_start3A_20 : memref<632x16xf32, #tpu.memory_space<vmem_shared>>) target_semaphore(%arg12 : memref<!tpu.dma_semaphore, #tpu.memory_space<semaphore_mem>>)
    %lt3A_21 = arith.constant 4 : i32
    %lt3A_22 = arith.cmpi slt, %add3A, %lt3A_21 : i32
    %convert_element_type3A = arith.extui %lt3A_22 : i1 to i32
    %cond3A = arith.constant 0 : i32
    %cond3A_23 = arith.cmpi ne, %convert_element_type3A, %cond3A : i32
    scf.if %cond3A_23 {
      %run_scoped3A = arith.constant 0 : i32
      "tpu.region"() ({
        %run_scoped3A_58 = tpu.sem_alloc : memref<!tpu.dma_semaphore, #tpu.memory_space<semaphore_mem>>
        %dma_start3A_59 = arith.constant 0 : i32
        %dma_start3A_60 = tpu.memref_slice %arg4[%run_scoped3A, %select_n3A, %dma_start3A_59] : memref<2x2500x128xi32, #tpu.memory_space<hbm>> -> memref<1x79x128xi32, #tpu.memory_space<hbm>>
        %dma_start3A_61 = tpu.memref_squeeze %dma_start3A_60 : memref<1x79x128xi32, #tpu.memory_space<hbm>> -> memref<79x128xi32, #tpu.memory_space<hbm>>
        %dma_start3A_62 = arith.constant 0 : i32
        %dma_start3A_63 = tpu.memref_slice %arg4[%run_scoped3A, %select_n3A, %dma_start3A_62] : memref<2x2500x128xi32, #tpu.memory_space<hbm>> -> memref<1x79x128xi32, #tpu.memory_space<hbm>>
        %dma_start3A_64 = tpu.memref_squeeze %dma_start3A_63 : memref<1x79x128xi32, #tpu.memory_space<hbm>> -> memref<79x128xi32, #tpu.memory_space<hbm>>
        tpu.enqueue_dma source(%dma_start3A_64 : memref<79x128xi32, #tpu.memory_space<hbm>>) target(%arg6 : memref<79x128xi32, #tpu.memory_space<vmem>>) target_semaphore(%run_scoped3A_58 : memref<!tpu.dma_semaphore, #tpu.memory_space<semaphore_mem>>)
        %dma_wait3A_65 = arith.constant 0 : i32
        %dma_wait3A_66 = tpu.memref_slice %arg4[%run_scoped3A, %select_n3A, %dma_wait3A_65] : memref<2x2500x128xi32, #tpu.memory_space<hbm>> -> memref<1x79x128xi32, #tpu.memory_space<hbm>>
        %dma_wait3A_67 = tpu.memref_squeeze %dma_wait3A_66 : memref<1x79x128xi32, #tpu.memory_space<hbm>> -> memref<79x128xi32, #tpu.memory_space<hbm>>
        %dma_wait3A_68 = arith.constant 0 : i32
        %dma_wait3A_69 = tpu.memref_slice %arg4[%run_scoped3A, %select_n3A, %dma_wait3A_68] : memref<2x2500x128xi32, #tpu.memory_space<hbm>> -> memref<1x79x128xi32, #tpu.memory_space<hbm>>
        %dma_wait3A_70 = tpu.memref_squeeze %dma_wait3A_69 : memref<1x79x128xi32, #tpu.memory_space<hbm>> -> memref<79x128xi32, #tpu.memory_space<hbm>>
        tpu.wait_dma2 semaphore(%run_scoped3A_58 : memref<!tpu.dma_semaphore, #tpu.memory_space<semaphore_mem>>) src(%dma_wait3A_70 : memref<79x128xi32, #tpu.memory_space<hbm>>) dst(%arg6 : memref<79x128xi32, #tpu.memory_space<vmem>>)
        tpu.yield
      }) : () -> ()
      %run_scoped3A_57 = arith.constant 1 : i32
      "tpu.region"() ({
        %run_scoped3A_58 = tpu.sem_alloc : memref<!tpu.dma_semaphore, #tpu.memory_space<semaphore_mem>>
        %dma_start3A_59 = arith.constant 0 : i32
        %dma_start3A_60 = tpu.memref_slice %arg4[%run_scoped3A_57, %select_n3A, %dma_start3A_59] : memref<2x2500x128xi32, #tpu.memory_space<hbm>> -> memref<1x79x128xi32, #tpu.memory_space<hbm>>
        %dma_start3A_61 = tpu.memref_squeeze %dma_start3A_60 : memref<1x79x128xi32, #tpu.memory_space<hbm>> -> memref<79x128xi32, #tpu.memory_space<hbm>>
        %dma_start3A_62 = arith.constant 0 : i32
        %dma_start3A_63 = tpu.memref_slice %arg4[%run_scoped3A_57, %select_n3A, %dma_start3A_62] : memref<2x2500x128xi32, #tpu.memory_space<hbm>> -> memref<1x79x128xi32, #tpu.memory_space<hbm>>
        %dma_start3A_64 = tpu.memref_squeeze %dma_start3A_63 : memref<1x79x128xi32, #tpu.memory_space<hbm>> -> memref<79x128xi32, #tpu.memory_space<hbm>>
        tpu.enqueue_dma source(%dma_start3A_64 : memref<79x128xi32, #tpu.memory_space<hbm>>) target(%arg7 : memref<79x128xi32, #tpu.memory_space<vmem>>) target_semaphore(%run_scoped3A_58 : memref<!tpu.dma_semaphore, #tpu.memory_space<semaphore_mem>>)
        %dma_wait3A_65 = arith.constant 0 : i32
        %dma_wait3A_66 = tpu.memref_slice %arg4[%run_scoped3A_57, %select_n3A, %dma_wait3A_65] : memref<2x2500x128xi32, #tpu.memory_space<hbm>> -> memref<1x79x128xi32, #tpu.memory_space<hbm>>
        %dma_wait3A_67 = tpu.memref_squeeze %dma_wait3A_66 : memref<1x79x128xi32, #tpu.memory_space<hbm>> -> memref<79x128xi32, #tpu.memory_space<hbm>>
        %dma_wait3A_68 = arith.constant 0 : i32
        %dma_wait3A_69 = tpu.memref_slice %arg4[%run_scoped3A_57, %select_n3A, %dma_wait3A_68] : memref<2x2500x128xi32, #tpu.memory_space<hbm>> -> memref<1x79x128xi32, #tpu.memory_space<hbm>>
        %dma_wait3A_70 = tpu.memref_squeeze %dma_wait3A_69 : memref<1x79x128xi32, #tpu.memory_space<hbm>> -> memref<79x128xi32, #tpu.memory_space<hbm>>
        tpu.wait_dma2 semaphore(%run_scoped3A_58 : memref<!tpu.dma_semaphore, #tpu.memory_space<semaphore_mem>>) src(%dma_wait3A_70 : memref<79x128xi32, #tpu.memory_space<hbm>>) dst(%arg7 : memref<79x128xi32, #tpu.memory_space<vmem>>)
        tpu.yield
      }) : () -> ()
    } else {
    }
    %ge3A = arith.constant 4 : i32
    %ge3A_24 = arith.cmpi sge, %add3A, %ge3A : i32
    %convert_element_type3A_25 = arith.extui %ge3A_24 : i1 to i32
    %cond3A_26 = arith.constant 0 : i32
    %cond3A_27 = arith.cmpi ne, %convert_element_type3A_25, %cond3A_26 : i32
    scf.if %cond3A_27 {
      %run_scoped3A = arith.constant 0 : i32
      "tpu.region"() ({
        %run_scoped3A_58 = tpu.sem_alloc : memref<!tpu.dma_semaphore, #tpu.memory_space<semaphore_mem>>
        %dma_start3A_59 = arith.constant 0 : i32
        %dma_start3A_60 = arith.constant 0 : i32
        %dma_start3A_61 = tpu.memref_slice %arg6[%dma_start3A_59, %dma_start3A_60] : memref<79x128xi32, #tpu.memory_space<vmem>> -> memref<78x128xi32, #tpu.memory_space<vmem>>
        %dma_start3A_62 = arith.constant 0 : i32
        %dma_start3A_63 = tpu.memref_slice %arg4[%run_scoped3A, %select_n3A, %dma_start3A_62] : memref<2x2500x128xi32, #tpu.memory_space<hbm>> -> memref<1x78x128xi32, #tpu.memory_space<hbm>>
        %dma_start3A_64 = tpu.memref_squeeze %dma_start3A_63 : memref<1x78x128xi32, #tpu.memory_space<hbm>> -> memref<78x128xi32, #tpu.memory_space<hbm>>
        %dma_start3A_65 = arith.constant 0 : i32
        %dma_start3A_66 = arith.constant 0 : i32
        %dma_start3A_67 = tpu.memref_slice %arg6[%dma_start3A_65, %dma_start3A_66] : memref<79x128xi32, #tpu.memory_space<vmem>> -> memref<78x128xi32, #tpu.memory_space<vmem>>
        %dma_start3A_68 = arith.constant 0 : i32
        %dma_start3A_69 = tpu.memref_slice %arg4[%run_scoped3A, %select_n3A, %dma_start3A_68] : memref<2x2500x128xi32, #tpu.memory_space<hbm>> -> memref<1x78x128xi32, #tpu.memory_space<hbm>>
        %dma_start3A_70 = tpu.memref_squeeze %dma_start3A_69 : memref<1x78x128xi32, #tpu.memory_space<hbm>> -> memref<78x128xi32, #tpu.memory_space<hbm>>
        tpu.enqueue_dma source(%dma_start3A_70 : memref<78x128xi32, #tpu.memory_space<hbm>>) target(%dma_start3A_67 : memref<78x128xi32, #tpu.memory_space<vmem>>) target_semaphore(%run_scoped3A_58 : memref<!tpu.dma_semaphore, #tpu.memory_space<semaphore_mem>>)
        %dma_wait3A_71 = arith.constant 0 : i32
        %dma_wait3A_72 = arith.constant 0 : i32
        %dma_wait3A_73 = tpu.memref_slice %arg6[%dma_wait3A_71, %dma_wait3A_72] : memref<79x128xi32, #tpu.memory_space<vmem>> -> memref<78x128xi32, #tpu.memory_space<vmem>>
        %dma_wait3A_74 = arith.constant 0 : i32
        %dma_wait3A_75 = tpu.memref_slice %arg4[%run_scoped3A, %select_n3A, %dma_wait3A_74] : memref<2x2500x128xi32, #tpu.memory_space<hbm>> -> memref<1x78x128xi32, #tpu.memory_space<hbm>>
        %dma_wait3A_76 = tpu.memref_squeeze %dma_wait3A_75 : memref<1x78x128xi32, #tpu.memory_space<hbm>> -> memref<78x128xi32, #tpu.memory_space<hbm>>
        %dma_wait3A_77 = arith.constant 0 : i32
        %dma_wait3A_78 = arith.constant 0 : i32
        %dma_wait3A_79 = tpu.memref_slice %arg6[%dma_wait3A_77, %dma_wait3A_78] : memref<79x128xi32, #tpu.memory_space<vmem>> -> memref<78x128xi32, #tpu.memory_space<vmem>>
        %dma_wait3A_80 = arith.constant 0 : i32
        %dma_wait3A_81 = tpu.memref_slice %arg4[%run_scoped3A, %select_n3A, %dma_wait3A_80] : memref<2x2500x128xi32, #tpu.memory_space<hbm>> -> memref<1x78x128xi32, #tpu.memory_space<hbm>>
        %dma_wait3A_82 = tpu.memref_squeeze %dma_wait3A_81 : memref<1x78x128xi32, #tpu.memory_space<hbm>> -> memref<78x128xi32, #tpu.memory_space<hbm>>
        tpu.wait_dma2 semaphore(%run_scoped3A_58 : memref<!tpu.dma_semaphore, #tpu.memory_space<semaphore_mem>>) src(%dma_wait3A_82 : memref<78x128xi32, #tpu.memory_space<hbm>>) dst(%dma_wait3A_79 : memref<78x128xi32, #tpu.memory_space<vmem>>)
        tpu.yield
      }) : () -> ()
      %run_scoped3A_57 = arith.constant 1 : i32
      "tpu.region"() ({
        %run_scoped3A_58 = tpu.sem_alloc : memref<!tpu.dma_semaphore, #tpu.memory_space<semaphore_mem>>
        %dma_start3A_59 = arith.constant 0 : i32
        %dma_start3A_60 = arith.constant 0 : i32
        %dma_start3A_61 = tpu.memref_slice %arg7[%dma_start3A_59, %dma_start3A_60] : memref<79x128xi32, #tpu.memory_space<vmem>> -> memref<78x128xi32, #tpu.memory_space<vmem>>
        %dma_start3A_62 = arith.constant 0 : i32
        %dma_start3A_63 = tpu.memref_slice %arg4[%run_scoped3A_57, %select_n3A, %dma_start3A_62] : memref<2x2500x128xi32, #tpu.memory_space<hbm>> -> memref<1x78x128xi32, #tpu.memory_space<hbm>>
        %dma_start3A_64 = tpu.memref_squeeze %dma_start3A_63 : memref<1x78x128xi32, #tpu.memory_space<hbm>> -> memref<78x128xi32, #tpu.memory_space<hbm>>
        %dma_start3A_65 = arith.constant 0 : i32
        %dma_start3A_66 = arith.constant 0 : i32
        %dma_start3A_67 = tpu.memref_slice %arg7[%dma_start3A_65, %dma_start3A_66] : memref<79x128xi32, #tpu.memory_space<vmem>> -> memref<78x128xi32, #tpu.memory_space<vmem>>
        %dma_start3A_68 = arith.constant 0 : i32
        %dma_start3A_69 = tpu.memref_slice %arg4[%run_scoped3A_57, %select_n3A, %dma_start3A_68] : memref<2x2500x128xi32, #tpu.memory_space<hbm>> -> memref<1x78x128xi32, #tpu.memory_space<hbm>>
        %dma_start3A_70 = tpu.memref_squeeze %dma_start3A_69 : memref<1x78x128xi32, #tpu.memory_space<hbm>> -> memref<78x128xi32, #tpu.memory_space<hbm>>
        tpu.enqueue_dma source(%dma_start3A_70 : memref<78x128xi32, #tpu.memory_space<hbm>>) target(%dma_start3A_67 : memref<78x128xi32, #tpu.memory_space<vmem>>) target_semaphore(%run_scoped3A_58 : memref<!tpu.dma_semaphore, #tpu.memory_space<semaphore_mem>>)
        %dma_wait3A_71 = arith.constant 0 : i32
        %dma_wait3A_72 = arith.constant 0 : i32
        %dma_wait3A_73 = tpu.memref_slice %arg7[%dma_wait3A_71, %dma_wait3A_72] : memref<79x128xi32, #tpu.memory_space<vmem>> -> memref<78x128xi32, #tpu.memory_space<vmem>>
        %dma_wait3A_74 = arith.constant 0 : i32
        %dma_wait3A_75 = tpu.memref_slice %arg4[%run_scoped3A_57, %select_n3A, %dma_wait3A_74] : memref<2x2500x128xi32, #tpu.memory_space<hbm>> -> memref<1x78x128xi32, #tpu.memory_space<hbm>>
        %dma_wait3A_76 = tpu.memref_squeeze %dma_wait3A_75 : memref<1x78x128xi32, #tpu.memory_space<hbm>> -> memref<78x128xi32, #tpu.memory_space<hbm>>
        %dma_wait3A_77 = arith.constant 0 : i32
        %dma_wait3A_78 = arith.constant 0 : i32
        %dma_wait3A_79 = tpu.memref_slice %arg7[%dma_wait3A_77, %dma_wait3A_78] : memref<79x128xi32, #tpu.memory_space<vmem>> -> memref<78x128xi32, #tpu.memory_space<vmem>>
        %dma_wait3A_80 = arith.constant 0 : i32
        %dma_wait3A_81 = tpu.memref_slice %arg4[%run_scoped3A_57, %select_n3A, %dma_wait3A_80] : memref<2x2500x128xi32, #tpu.memory_space<hbm>> -> memref<1x78x128xi32, #tpu.memory_space<hbm>>
        %dma_wait3A_82 = tpu.memref_squeeze %dma_wait3A_81 : memref<1x78x128xi32, #tpu.memory_space<hbm>> -> memref<78x128xi32, #tpu.memory_space<hbm>>
        tpu.wait_dma2 semaphore(%run_scoped3A_58 : memref<!tpu.dma_semaphore, #tpu.memory_space<semaphore_mem>>) src(%dma_wait3A_82 : memref<78x128xi32, #tpu.memory_space<hbm>>) dst(%dma_wait3A_79 : memref<78x128xi32, #tpu.memory_space<vmem>>)
        tpu.yield
      }) : () -> ()
    } else {
    }
    %dma_wait3A = arith.constant 0 : i32
    %dma_wait3A_28 = tpu.memref_slice %arg11[%mul3A_2, %dma_wait3A] : memref<10112x16xf32, #tpu.memory_space<vmem_shared>> -> memref<632x16xf32, #tpu.memory_space<vmem_shared>>
    tpu.wait_dma2 semaphore(%arg12 : memref<!tpu.dma_semaphore, #tpu.memory_space<semaphore_mem>>) src(%arg3 : memref<632x16xf32, #tpu.memory_space<hbm>>) dst(%dma_wait3A_28 : memref<632x16xf32, #tpu.memory_space<vmem_shared>>)
    %dma_wait3A_29 = arith.constant 0 : i32
    %dma_wait3A_30 = tpu.memref_slice %arg10[%mul3A_15, %dma_wait3A_29] : memref<10000x16xf32, #tpu.memory_space<vmem_shared>> -> memref<625x16xf32, #tpu.memory_space<vmem_shared>>
    %dma_wait3A_31 = arith.constant 0 : i32
    %dma_wait3A_32 = tpu.memref_slice %arg2[%mul3A_15, %dma_wait3A_31] : memref<10000x16xf32, #tpu.memory_space<hbm>> -> memref<625x16xf32, #tpu.memory_space<hbm>>
    tpu.wait_dma2 semaphore(%arg13 : memref<!tpu.dma_semaphore, #tpu.memory_space<semaphore_mem>>) src(%dma_wait3A_32 : memref<625x16xf32, #tpu.memory_space<hbm>>) dst(%dma_wait3A_30 : memref<625x16xf32, #tpu.memory_space<vmem_shared>>)
    %barrier3A = arith.constant 0 : index
    tpu.barrier barrier_id(%barrier3A)
    %dma_start3A_33 = arith.constant 0 : i32
    %dma_start3A_34 = arith.constant 0 : i32
    %dma_start3A_35 = tpu.memref_slice %arg6[%dma_start3A_33, %dma_start3A_34] : memref<79x128xi32, #tpu.memory_space<vmem>> -> memref<1x128xi32, #tpu.memory_space<vmem>>
    %dma_start3A_36 = tpu.memref_squeeze %dma_start3A_35 : memref<1x128xi32, #tpu.memory_space<vmem>> -> memref<128xi32, #tpu.memory_space<vmem>>
    %dma_start3A_37 = arith.constant 0 : i32
    %dma_start3A_38 = arith.constant 0 : i32
    %dma_start3A_39 = tpu.memref_slice %arg10[%dma_start3A_37, %dma_start3A_38] : memref<10000x16xf32, #tpu.memory_space<vmem_shared>> -> memref<10000x16xf32, #tpu.memory_space<vmem_shared>>
    tpu.enqueue_indirect_dma source(%dma_start3A_39 : memref<10000x16xf32, #tpu.memory_space<vmem_shared>>) target(%arg8 : memref<128x16xf32, #tpu.memory_space<vmem>>) offsets(%dma_start3A_36 : memref<128xi32, #tpu.memory_space<vmem>>) semaphore(%arg12 : memref<!tpu.dma_semaphore, #tpu.memory_space<semaphore_mem>>)
    %dma_start3A_40 = arith.constant 1 : i32
    %dma_start3A_41 = arith.constant 0 : i32
    %dma_start3A_42 = tpu.memref_slice %arg6[%dma_start3A_40, %dma_start3A_41] : memref<79x128xi32, #tpu.memory_space<vmem>> -> memref<1x128xi32, #tpu.memory_space<vmem>>
    %dma_start3A_43 = tpu.memref_squeeze %dma_start3A_42 : memref<1x128xi32, #tpu.memory_space<vmem>> -> memref<128xi32, #tpu.memory_space<vmem>>
    %dma_start3A_44 = arith.constant 0 : i32
    %dma_start3A_45 = arith.constant 0 : i32
    %dma_start3A_46 = tpu.memref_slice %arg10[%dma_start3A_44, %dma_start3A_45] : memref<10000x16xf32, #tpu.memory_space<vmem_shared>> -> memref<10000x16xf32, #tpu.memory_space<vmem_shared>>
    tpu.enqueue_indirect_dma source(%dma_start3A_46 : memref<10000x16xf32, #tpu.memory_space<vmem_shared>>) target(%arg9 : memref<128x16xf32, #tpu.memory_space<vmem>>) offsets(%dma_start3A_43 : memref<128xi32, #tpu.memory_space<vmem>>) semaphore(%arg13 : memref<!tpu.dma_semaphore, #tpu.memory_space<semaphore_mem>>)
    %scan3A = arith.constant 0 : i32
    %scan3A_47 = arith.constant 39 : i32
    %scan3A_48 = arith.addi %scan3A, %scan3A_47 : i32
    %scan3A_49 = arith.constant 1 : i32
    scf.for %scan3A_57 = %scan3A to %scan3A_48 step %scan3A_49  : i32 {
      %mul3A_58 = arith.constant 2 : i32
      %mul3A_59 = arith.muli %scan3A_57, %mul3A_58 : i32
      %add3A_60 = arith.constant 0 : i32
      %add3A_61 = arith.addi %add3A_60, %mul3A_59 : i32
      %dma_wait3A_62 = arith.constant 0 : i32
      %dma_wait3A_63 = tpu.memref_slice %arg6[%add3A_61, %dma_wait3A_62] : memref<79x128xi32, #tpu.memory_space<vmem>> -> memref<1x128xi32, #tpu.memory_space<vmem>>
      %dma_wait3A_64 = tpu.memref_squeeze %dma_wait3A_63 : memref<1x128xi32, #tpu.memory_space<vmem>> -> memref<128xi32, #tpu.memory_space<vmem>>
      %dma_wait3A_65 = arith.constant 0 : i32
      %dma_wait3A_66 = arith.constant 0 : i32
      %dma_wait3A_67 = tpu.memref_slice %arg10[%dma_wait3A_65, %dma_wait3A_66] : memref<10000x16xf32, #tpu.memory_space<vmem_shared>> -> memref<10000x16xf32, #tpu.memory_space<vmem_shared>>
      tpu.wait_indirect_dma semaphore(%arg12 : memref<!tpu.dma_semaphore, #tpu.memory_space<semaphore_mem>>) src(%dma_wait3A_67 : memref<10000x16xf32, #tpu.memory_space<vmem_shared>>) dst(%arg8 : memref<128x16xf32, #tpu.memory_space<vmem>>)
      "tpu.region"() ({
        %run_scoped3A = tpu.sem_alloc : memref<!tpu.dma_semaphore, #tpu.memory_space<semaphore_mem>>
        %dma_start3A_92 = arith.constant 0 : i32
        %dma_start3A_93 = tpu.memref_slice %arg7[%add3A_61, %dma_start3A_92] : memref<79x128xi32, #tpu.memory_space<vmem>> -> memref<1x128xi32, #tpu.memory_space<vmem>>
        %dma_start3A_94 = tpu.memref_squeeze %dma_start3A_93 : memref<1x128xi32, #tpu.memory_space<vmem>> -> memref<128xi32, #tpu.memory_space<vmem>>
        %dma_start3A_95 = arith.constant 0 : i32
        %dma_start3A_96 = arith.constant 0 : i32
        %dma_start3A_97 = tpu.memref_slice %arg11[%dma_start3A_95, %dma_start3A_96] : memref<10112x16xf32, #tpu.memory_space<vmem_shared>> -> memref<10112x16xf32, #tpu.memory_space<vmem_shared>>
        tpu.enqueue_indirect_dma source(%arg8 : memref<128x16xf32, #tpu.memory_space<vmem>>) target(%dma_start3A_97 : memref<10112x16xf32, #tpu.memory_space<vmem_shared>>) offsets(%dma_start3A_94 : memref<128xi32, #tpu.memory_space<vmem>>) semaphore(%run_scoped3A : memref<!tpu.dma_semaphore, #tpu.memory_space<semaphore_mem>>) {add = true}
        %dma_wait3A_98 = arith.constant 0 : i32
        %dma_wait3A_99 = tpu.memref_slice %arg7[%add3A_61, %dma_wait3A_98] : memref<79x128xi32, #tpu.memory_space<vmem>> -> memref<1x128xi32, #tpu.memory_space<vmem>>
        %dma_wait3A_100 = tpu.memref_squeeze %dma_wait3A_99 : memref<1x128xi32, #tpu.memory_space<vmem>> -> memref<128xi32, #tpu.memory_space<vmem>>
        %dma_wait3A_101 = arith.constant 0 : i32
        %dma_wait3A_102 = arith.constant 0 : i32
        %dma_wait3A_103 = tpu.memref_slice %arg11[%dma_wait3A_101, %dma_wait3A_102] : memref<10112x16xf32, #tpu.memory_space<vmem_shared>> -> memref<10112x16xf32, #tpu.memory_space<vmem_shared>>
        tpu.wait_indirect_dma semaphore(%run_scoped3A : memref<!tpu.dma_semaphore, #tpu.memory_space<semaphore_mem>>) src(%arg8 : memref<128x16xf32, #tpu.memory_space<vmem>>) dst(%dma_wait3A_103 : memref<10112x16xf32, #tpu.memory_space<vmem_shared>>)
        tpu.yield
      }) : () -> ()
      %add3A_68 = arith.constant 2 : i32
      %add3A_69 = arith.addi %add3A_61, %add3A_68 : i32
      %lt3A_70 = arith.constant 78 : i32
      %lt3A_71 = arith.cmpi slt, %add3A_69, %lt3A_70 : i32
      %convert_element_type3A_72 = arith.extui %lt3A_71 : i1 to i32
      %cond3A_73 = arith.constant 0 : i32
      %cond3A_74 = arith.cmpi ne, %convert_element_type3A_72, %cond3A_73 : i32
      scf.if %cond3A_74 {
        %add3A_92 = arith.constant 2 : i32
        %add3A_93 = arith.addi %add3A_61, %add3A_92 : i32
        %dma_start3A_94 = arith.constant 0 : i32
        %dma_start3A_95 = tpu.memref_slice %arg6[%add3A_93, %dma_start3A_94] : memref<79x128xi32, #tpu.memory_space<vmem>> -> memref<1x128xi32, #tpu.memory_space<vmem>>
        %dma_start3A_96 = tpu.memref_squeeze %dma_start3A_95 : memref<1x128xi32, #tpu.memory_space<vmem>> -> memref<128xi32, #tpu.memory_space<vmem>>
        %dma_start3A_97 = arith.constant 0 : i32
        %dma_start3A_98 = arith.constant 0 : i32
        %dma_start3A_99 = tpu.memref_slice %arg10[%dma_start3A_97, %dma_start3A_98] : memref<10000x16xf32, #tpu.memory_space<vmem_shared>> -> memref<10000x16xf32, #tpu.memory_space<vmem_shared>>
        tpu.enqueue_indirect_dma source(%dma_start3A_99 : memref<10000x16xf32, #tpu.memory_space<vmem_shared>>) target(%arg8 : memref<128x16xf32, #tpu.memory_space<vmem>>) offsets(%dma_start3A_96 : memref<128xi32, #tpu.memory_space<vmem>>) semaphore(%arg12 : memref<!tpu.dma_semaphore, #tpu.memory_space<semaphore_mem>>)
      } else {
      }
      %add3A_75 = arith.constant 1 : i32
      %add3A_76 = arith.addi %add3A_61, %add3A_75 : i32
      %dma_wait3A_77 = arith.constant 0 : i32
      %dma_wait3A_78 = tpu.memref_slice %arg6[%add3A_76, %dma_wait3A_77] : memref<79x128xi32, #tpu.memory_space<vmem>> -> memref<1x128xi32, #tpu.memory_space<vmem>>
      %dma_wait3A_79 = tpu.memref_squeeze %dma_wait3A_78 : memref<1x128xi32, #tpu.memory_space<vmem>> -> memref<128xi32, #tpu.memory_space<vmem>>
      %dma_wait3A_80 = arith.constant 0 : i32
      %dma_wait3A_81 = arith.constant 0 : i32
      %dma_wait3A_82 = tpu.memref_slice %arg10[%dma_wait3A_80, %dma_wait3A_81] : memref<10000x16xf32, #tpu.memory_space<vmem_shared>> -> memref<10000x16xf32, #tpu.memory_space<vmem_shared>>
      tpu.wait_indirect_dma semaphore(%arg13 : memref<!tpu.dma_semaphore, #tpu.memory_space<semaphore_mem>>) src(%dma_wait3A_82 : memref<10000x16xf32, #tpu.memory_space<vmem_shared>>) dst(%arg9 : memref<128x16xf32, #tpu.memory_space<vmem>>)
      %add3A_83 = arith.constant 1 : i32
      %add3A_84 = arith.addi %add3A_61, %add3A_83 : i32
      "tpu.region"() ({
        %run_scoped3A = tpu.sem_alloc : memref<!tpu.dma_semaphore, #tpu.memory_space<semaphore_mem>>
        %dma_start3A_92 = arith.constant 0 : i32
        %dma_start3A_93 = tpu.memref_slice %arg7[%add3A_84, %dma_start3A_92] : memref<79x128xi32, #tpu.memory_space<vmem>> -> memref<1x128xi32, #tpu.memory_space<vmem>>
        %dma_start3A_94 = tpu.memref_squeeze %dma_start3A_93 : memref<1x128xi32, #tpu.memory_space<vmem>> -> memref<128xi32, #tpu.memory_space<vmem>>
        %dma_start3A_95 = arith.constant 0 : i32
        %dma_start3A_96 = arith.constant 0 : i32
        %dma_start3A_97 = tpu.memref_slice %arg11[%dma_start3A_95, %dma_start3A_96] : memref<10112x16xf32, #tpu.memory_space<vmem_shared>> -> memref<10112x16xf32, #tpu.memory_space<vmem_shared>>
        tpu.enqueue_indirect_dma source(%arg9 : memref<128x16xf32, #tpu.memory_space<vmem>>) target(%dma_start3A_97 : memref<10112x16xf32, #tpu.memory_space<vmem_shared>>) offsets(%dma_start3A_94 : memref<128xi32, #tpu.memory_space<vmem>>) semaphore(%run_scoped3A : memref<!tpu.dma_semaphore, #tpu.memory_space<semaphore_mem>>) {add = true}
        %dma_wait3A_98 = arith.constant 0 : i32
        %dma_wait3A_99 = tpu.memref_slice %arg7[%add3A_84, %dma_wait3A_98] : memref<79x128xi32, #tpu.memory_space<vmem>> -> memref<1x128xi32, #tpu.memory_space<vmem>>
        %dma_wait3A_100 = tpu.memref_squeeze %dma_wait3A_99 : memref<1x128xi32, #tpu.memory_space<vmem>> -> memref<128xi32, #tpu.memory_space<vmem>>
        %dma_wait3A_101 = arith.constant 0 : i32
        %dma_wait3A_102 = arith.constant 0 : i32
        %dma_wait3A_103 = tpu.memref_slice %arg11[%dma_wait3A_101, %dma_wait3A_102] : memref<10112x16xf32, #tpu.memory_space<vmem_shared>> -> memref<10112x16xf32, #tpu.memory_space<vmem_shared>>
        tpu.wait_indirect_dma semaphore(%run_scoped3A : memref<!tpu.dma_semaphore, #tpu.memory_space<semaphore_mem>>) src(%arg9 : memref<128x16xf32, #tpu.memory_space<vmem>>) dst(%dma_wait3A_103 : memref<10112x16xf32, #tpu.memory_space<vmem_shared>>)
        tpu.yield
      }) : () -> ()
      %add3A_85 = arith.constant 3 : i32
      %add3A_86 = arith.addi %add3A_61, %add3A_85 : i32
      %lt3A_87 = arith.constant 78 : i32
      %lt3A_88 = arith.cmpi slt, %add3A_86, %lt3A_87 : i32
      %convert_element_type3A_89 = arith.extui %lt3A_88 : i1 to i32
      %cond3A_90 = arith.constant 0 : i32
      %cond3A_91 = arith.cmpi ne, %convert_element_type3A_89, %cond3A_90 : i32
      scf.if %cond3A_91 {
        %add3A_92 = arith.constant 3 : i32
        %add3A_93 = arith.addi %add3A_61, %add3A_92 : i32
        %dma_start3A_94 = arith.constant 0 : i32
        %dma_start3A_95 = tpu.memref_slice %arg6[%add3A_93, %dma_start3A_94] : memref<79x128xi32, #tpu.memory_space<vmem>> -> memref<1x128xi32, #tpu.memory_space<vmem>>
        %dma_start3A_96 = tpu.memref_squeeze %dma_start3A_95 : memref<1x128xi32, #tpu.memory_space<vmem>> -> memref<128xi32, #tpu.memory_space<vmem>>
        %dma_start3A_97 = arith.constant 0 : i32
        %dma_start3A_98 = arith.constant 0 : i32
        %dma_start3A_99 = tpu.memref_slice %arg10[%dma_start3A_97, %dma_start3A_98] : memref<10000x16xf32, #tpu.memory_space<vmem_shared>> -> memref<10000x16xf32, #tpu.memory_space<vmem_shared>>
        tpu.enqueue_indirect_dma source(%dma_start3A_99 : memref<10000x16xf32, #tpu.memory_space<vmem_shared>>) target(%arg9 : memref<128x16xf32, #tpu.memory_space<vmem>>) offsets(%dma_start3A_96 : memref<128xi32, #tpu.memory_space<vmem>>) semaphore(%arg13 : memref<!tpu.dma_semaphore, #tpu.memory_space<semaphore_mem>>)
      } else {
      }
    }
    %scan3A_50 = arith.constant 39 : i32
    %lt3A_51 = arith.constant 4 : i32
    %lt3A_52 = arith.cmpi slt, %add3A, %lt3A_51 : i32
    %convert_element_type3A_53 = arith.extui %lt3A_52 : i1 to i32
    %cond3A_54 = arith.constant 0 : i32
    %cond3A_55 = arith.cmpi ne, %convert_element_type3A_53, %cond3A_54 : i32
    scf.if %cond3A_55 {
      %dma_start3A_57 = arith.constant 78 : i32
      %dma_start3A_58 = arith.constant 0 : i32
      %dma_start3A_59 = tpu.memref_slice %arg6[%dma_start3A_57, %dma_start3A_58] : memref<79x128xi32, #tpu.memory_space<vmem>> -> memref<1x128xi32, #tpu.memory_space<vmem>>
      %dma_start3A_60 = tpu.memref_squeeze %dma_start3A_59 : memref<1x128xi32, #tpu.memory_space<vmem>> -> memref<128xi32, #tpu.memory_space<vmem>>
      %dma_start3A_61 = arith.constant 0 : i32
      %dma_start3A_62 = arith.constant 0 : i32
      %dma_start3A_63 = tpu.memref_slice %arg10[%dma_start3A_61, %dma_start3A_62] : memref<10000x16xf32, #tpu.memory_space<vmem_shared>> -> memref<10000x16xf32, #tpu.memory_space<vmem_shared>>
      tpu.enqueue_indirect_dma source(%dma_start3A_63 : memref<10000x16xf32, #tpu.memory_space<vmem_shared>>) target(%arg8 : memref<128x16xf32, #tpu.memory_space<vmem>>) offsets(%dma_start3A_60 : memref<128xi32, #tpu.memory_space<vmem>>) semaphore(%arg12 : memref<!tpu.dma_semaphore, #tpu.memory_space<semaphore_mem>>)
      %dma_wait3A_64 = arith.constant 78 : i32
      %dma_wait3A_65 = arith.constant 0 : i32
      %dma_wait3A_66 = tpu.memref_slice %arg6[%dma_wait3A_64, %dma_wait3A_65] : memref<79x128xi32, #tpu.memory_space<vmem>> -> memref<1x128xi32, #tpu.memory_space<vmem>>
      %dma_wait3A_67 = tpu.memref_squeeze %dma_wait3A_66 : memref<1x128xi32, #tpu.memory_space<vmem>> -> memref<128xi32, #tpu.memory_space<vmem>>
      %dma_wait3A_68 = arith.constant 0 : i32
      %dma_wait3A_69 = arith.constant 0 : i32
      %dma_wait3A_70 = tpu.memref_slice %arg10[%dma_wait3A_68, %dma_wait3A_69] : memref<10000x16xf32, #tpu.memory_space<vmem_shared>> -> memref<10000x16xf32, #tpu.memory_space<vmem_shared>>
      tpu.wait_indirect_dma semaphore(%arg12 : memref<!tpu.dma_semaphore, #tpu.memory_space<semaphore_mem>>) src(%dma_wait3A_70 : memref<10000x16xf32, #tpu.memory_space<vmem_shared>>) dst(%arg8 : memref<128x16xf32, #tpu.memory_space<vmem>>)
      %run_scoped3A = arith.constant 78 : i32
      "tpu.region"() ({
        %run_scoped3A_71 = tpu.sem_alloc : memref<!tpu.dma_semaphore, #tpu.memory_space<semaphore_mem>>
        %dma_start3A_72 = arith.constant 0 : i32
        %dma_start3A_73 = tpu.memref_slice %arg7[%run_scoped3A, %dma_start3A_72] : memref<79x128xi32, #tpu.memory_space<vmem>> -> memref<1x128xi32, #tpu.memory_space<vmem>>
        %dma_start3A_74 = tpu.memref_squeeze %dma_start3A_73 : memref<1x128xi32, #tpu.memory_space<vmem>> -> memref<128xi32, #tpu.memory_space<vmem>>
        %dma_start3A_75 = arith.constant 0 : i32
        %dma_start3A_76 = arith.constant 0 : i32
        %dma_start3A_77 = tpu.memref_slice %arg11[%dma_start3A_75, %dma_start3A_76] : memref<10112x16xf32, #tpu.memory_space<vmem_shared>> -> memref<10112x16xf32, #tpu.memory_space<vmem_shared>>
        tpu.enqueue_indirect_dma source(%arg8 : memref<128x16xf32, #tpu.memory_space<vmem>>) target(%dma_start3A_77 : memref<10112x16xf32, #tpu.memory_space<vmem_shared>>) offsets(%dma_start3A_74 : memref<128xi32, #tpu.memory_space<vmem>>) semaphore(%run_scoped3A_71 : memref<!tpu.dma_semaphore, #tpu.memory_space<semaphore_mem>>) {add = true}
        %dma_wait3A_78 = arith.constant 0 : i32
        %dma_wait3A_79 = tpu.memref_slice %arg7[%run_scoped3A, %dma_wait3A_78] : memref<79x128xi32, #tpu.memory_space<vmem>> -> memref<1x128xi32, #tpu.memory_space<vmem>>
        %dma_wait3A_80 = tpu.memref_squeeze %dma_wait3A_79 : memref<1x128xi32, #tpu.memory_space<vmem>> -> memref<128xi32, #tpu.memory_space<vmem>>
        %dma_wait3A_81 = arith.constant 0 : i32
        %dma_wait3A_82 = arith.constant 0 : i32
        %dma_wait3A_83 = tpu.memref_slice %arg11[%dma_wait3A_81, %dma_wait3A_82] : memref<10112x16xf32, #tpu.memory_space<vmem_shared>> -> memref<10112x16xf32, #tpu.memory_space<vmem_shared>>
        tpu.wait_indirect_dma semaphore(%run_scoped3A_71 : memref<!tpu.dma_semaphore, #tpu.memory_space<semaphore_mem>>) src(%arg8 : memref<128x16xf32, #tpu.memory_space<vmem>>) dst(%dma_wait3A_83 : memref<10112x16xf32, #tpu.memory_space<vmem_shared>>)
        tpu.yield
      }) : () -> ()
    } else {
    }
    %barrier3A_56 = arith.constant 0 : index
    tpu.barrier barrier_id(%barrier3A_56)
    "tpu.region"() ({
      %run_scoped3A = tpu.sem_alloc : memref<!tpu.dma_semaphore, #tpu.memory_space<semaphore_mem>>
      %dma_start3A_57 = arith.constant 0 : i32
      %dma_start3A_58 = tpu.memref_slice %arg5[%arg0, %mul3A_2, %dma_start3A_57] : memref<2x10112x16xf32, #tpu.memory_space<hbm>> -> memref<1x632x16xf32, #tpu.memory_space<hbm>>
      %dma_start3A_59 = tpu.memref_squeeze %dma_start3A_58 : memref<1x632x16xf32, #tpu.memory_space<hbm>> -> memref<632x16xf32, #tpu.memory_space<hbm>>
      %dma_start3A_60 = arith.constant 0 : i32
      %dma_start3A_61 = tpu.memref_slice %arg11[%mul3A_2, %dma_start3A_60] : memref<10112x16xf32, #tpu.memory_space<vmem_shared>> -> memref<632x16xf32, #tpu.memory_space<vmem_shared>>
      tpu.enqueue_dma source(%dma_start3A_61 : memref<632x16xf32, #tpu.memory_space<vmem_shared>>) target(%dma_start3A_59 : memref<632x16xf32, #tpu.memory_space<hbm>>) target_semaphore(%run_scoped3A : memref<!tpu.dma_semaphore, #tpu.memory_space<semaphore_mem>>)
      %dma_wait3A_62 = arith.constant 0 : i32
      %dma_wait3A_63 = tpu.memref_slice %arg5[%arg0, %mul3A_2, %dma_wait3A_62] : memref<2x10112x16xf32, #tpu.memory_space<hbm>> -> memref<1x632x16xf32, #tpu.memory_space<hbm>>
      %dma_wait3A_64 = tpu.memref_squeeze %dma_wait3A_63 : memref<1x632x16xf32, #tpu.memory_space<hbm>> -> memref<632x16xf32, #tpu.memory_space<hbm>>
      %dma_wait3A_65 = arith.constant 0 : i32
      %dma_wait3A_66 = tpu.memref_slice %arg11[%mul3A_2, %dma_wait3A_65] : memref<10112x16xf32, #tpu.memory_space<vmem_shared>> -> memref<632x16xf32, #tpu.memory_space<vmem_shared>>
      tpu.wait_dma2 semaphore(%run_scoped3A : memref<!tpu.dma_semaphore, #tpu.memory_space<semaphore_mem>>) src(%dma_wait3A_66 : memref<632x16xf32, #tpu.memory_space<vmem_shared>>) dst(%dma_wait3A_64 : memref<632x16xf32, #tpu.memory_space<hbm>>)
      tpu.yield
    }) : () -> ()
    return
  }
}

#map = affine_map<(d0, d1) -> (0, 0)>
#map1 = affine_map<(d0, d1) -> (0, 0, 0)>
module attributes {stable_mosaic.version = 14 : i64} {
  func.func @deg_kernel(%arg0: i32, %arg1: i32, %arg2: memref<632x16xf32, #tpu.memory_space<hbm>>, %arg3: memref<128x16xf32, #tpu.memory_space<hbm>>, %arg4: memref<2x2500x128xi32, #tpu.memory_space<hbm>>, %arg5: memref<2x10112x16xf32, #tpu.memory_space<hbm>>, %arg6: memref<79x128xi32, #tpu.memory_space<vmem>>, %arg7: memref<128x16xf32, #tpu.memory_space<vmem>>, %arg8: memref<10112x16xf32, #tpu.memory_space<vmem_shared>>, %arg9: memref<!tpu.dma_semaphore, #tpu.memory_space<semaphore_mem>>) attributes {dimension_semantics = [#tpu.dimension_semantics<core_parallel>, #tpu.dimension_semantics<subcore_parallel>], iteration_bounds = array<i64: 2, 16>, scalar_prefetch = 0 : i64, scratch_operands = 4 : i64, tpu.core_type = #tpu.core_type<sc_vector_subcore>, window_params = [{transform_indices = #map}, {transform_indices = #map}, {transform_indices = #map1}, {transform_indices = #map1}]} {
    %mul3A = arith.constant 16 : i32
    %mul3A_0 = arith.muli %arg0, %mul3A : i32
    %add3A = arith.addi %mul3A_0, %arg1 : i32
    %mul3A_1 = arith.constant 632 : i32
    %mul3A_2 = arith.muli %arg1, %mul3A_1 : i32
    %lt3A = arith.constant 4 : i32
    %lt3A_3 = arith.cmpi slt, %add3A, %lt3A : i32
    %mul3A_4 = arith.constant 79 : i32
    %mul3A_5 = arith.muli %add3A, %mul3A_4 : i32
    %mul3A_6 = arith.constant 78 : i32
    %mul3A_7 = arith.muli %add3A, %mul3A_6 : i32
    %add3A_8 = arith.constant 4 : i32
    %add3A_9 = arith.addi %mul3A_7, %add3A_8 : i32
    %select_n3A = arith.select %lt3A_3, %mul3A_5, %add3A_9 : i32
    %lt3A_10 = arith.constant 4 : i32
    %lt3A_11 = arith.cmpi slt, %add3A, %lt3A_10 : i32
    %jit3A = arith.constant 79 : i32
    %jit3A_12 = arith.constant 78 : i32
    %select_n3A_13 = arith.select %lt3A_11, %jit3A, %jit3A_12 : i32
    %dma_start3A = arith.constant 0 : i32
    %dma_start3A_14 = tpu.memref_slice %arg8[%mul3A_2, %dma_start3A] : memref<10112x16xf32, #tpu.memory_space<vmem_shared>> -> memref<632x16xf32, #tpu.memory_space<vmem_shared>>
    tpu.enqueue_dma source(%arg2 : memref<632x16xf32, #tpu.memory_space<hbm>>) target(%dma_start3A_14 : memref<632x16xf32, #tpu.memory_space<vmem_shared>>) target_semaphore(%arg9 : memref<!tpu.dma_semaphore, #tpu.memory_space<semaphore_mem>>)
    "tpu.region"() ({
      %run_scoped3A = tpu.sem_alloc : memref<!tpu.dma_semaphore, #tpu.memory_space<semaphore_mem>>
      tpu.enqueue_dma source(%arg3 : memref<128x16xf32, #tpu.memory_space<hbm>>) target(%arg7 : memref<128x16xf32, #tpu.memory_space<vmem>>) target_semaphore(%run_scoped3A : memref<!tpu.dma_semaphore, #tpu.memory_space<semaphore_mem>>)
      tpu.wait_dma2 semaphore(%run_scoped3A : memref<!tpu.dma_semaphore, #tpu.memory_space<semaphore_mem>>) src(%arg3 : memref<128x16xf32, #tpu.memory_space<hbm>>) dst(%arg7 : memref<128x16xf32, #tpu.memory_space<vmem>>)
      tpu.yield
    }) : () -> ()
    %lt3A_15 = arith.constant 4 : i32
    %lt3A_16 = arith.cmpi slt, %add3A, %lt3A_15 : i32
    %convert_element_type3A = arith.extui %lt3A_16 : i1 to i32
    %cond3A = arith.constant 0 : i32
    %cond3A_17 = arith.cmpi ne, %convert_element_type3A, %cond3A : i32
    scf.if %cond3A_17 {
      %run_scoped3A = arith.constant 1 : i32
      "tpu.region"() ({
        %run_scoped3A_40 = tpu.sem_alloc : memref<!tpu.dma_semaphore, #tpu.memory_space<semaphore_mem>>
        %dma_start3A_41 = arith.constant 0 : i32
        %dma_start3A_42 = tpu.memref_slice %arg4[%run_scoped3A, %select_n3A, %dma_start3A_41] : memref<2x2500x128xi32, #tpu.memory_space<hbm>> -> memref<1x79x128xi32, #tpu.memory_space<hbm>>
        %dma_start3A_43 = tpu.memref_squeeze %dma_start3A_42 : memref<1x79x128xi32, #tpu.memory_space<hbm>> -> memref<79x128xi32, #tpu.memory_space<hbm>>
        %dma_start3A_44 = arith.constant 0 : i32
        %dma_start3A_45 = tpu.memref_slice %arg4[%run_scoped3A, %select_n3A, %dma_start3A_44] : memref<2x2500x128xi32, #tpu.memory_space<hbm>> -> memref<1x79x128xi32, #tpu.memory_space<hbm>>
        %dma_start3A_46 = tpu.memref_squeeze %dma_start3A_45 : memref<1x79x128xi32, #tpu.memory_space<hbm>> -> memref<79x128xi32, #tpu.memory_space<hbm>>
        tpu.enqueue_dma source(%dma_start3A_46 : memref<79x128xi32, #tpu.memory_space<hbm>>) target(%arg6 : memref<79x128xi32, #tpu.memory_space<vmem>>) target_semaphore(%run_scoped3A_40 : memref<!tpu.dma_semaphore, #tpu.memory_space<semaphore_mem>>)
        %dma_wait3A_47 = arith.constant 0 : i32
        %dma_wait3A_48 = tpu.memref_slice %arg4[%run_scoped3A, %select_n3A, %dma_wait3A_47] : memref<2x2500x128xi32, #tpu.memory_space<hbm>> -> memref<1x79x128xi32, #tpu.memory_space<hbm>>
        %dma_wait3A_49 = tpu.memref_squeeze %dma_wait3A_48 : memref<1x79x128xi32, #tpu.memory_space<hbm>> -> memref<79x128xi32, #tpu.memory_space<hbm>>
        %dma_wait3A_50 = arith.constant 0 : i32
        %dma_wait3A_51 = tpu.memref_slice %arg4[%run_scoped3A, %select_n3A, %dma_wait3A_50] : memref<2x2500x128xi32, #tpu.memory_space<hbm>> -> memref<1x79x128xi32, #tpu.memory_space<hbm>>
        %dma_wait3A_52 = tpu.memref_squeeze %dma_wait3A_51 : memref<1x79x128xi32, #tpu.memory_space<hbm>> -> memref<79x128xi32, #tpu.memory_space<hbm>>
        tpu.wait_dma2 semaphore(%run_scoped3A_40 : memref<!tpu.dma_semaphore, #tpu.memory_space<semaphore_mem>>) src(%dma_wait3A_52 : memref<79x128xi32, #tpu.memory_space<hbm>>) dst(%arg6 : memref<79x128xi32, #tpu.memory_space<vmem>>)
        tpu.yield
      }) : () -> ()
    } else {
    }
    %ge3A = arith.constant 4 : i32
    %ge3A_18 = arith.cmpi sge, %add3A, %ge3A : i32
    %convert_element_type3A_19 = arith.extui %ge3A_18 : i1 to i32
    %cond3A_20 = arith.constant 0 : i32
    %cond3A_21 = arith.cmpi ne, %convert_element_type3A_19, %cond3A_20 : i32
    scf.if %cond3A_21 {
      %run_scoped3A = arith.constant 1 : i32
      "tpu.region"() ({
        %run_scoped3A_40 = tpu.sem_alloc : memref<!tpu.dma_semaphore, #tpu.memory_space<semaphore_mem>>
        %dma_start3A_41 = arith.constant 0 : i32
        %dma_start3A_42 = arith.constant 0 : i32
        %dma_start3A_43 = tpu.memref_slice %arg6[%dma_start3A_41, %dma_start3A_42] : memref<79x128xi32, #tpu.memory_space<vmem>> -> memref<78x128xi32, #tpu.memory_space<vmem>>
        %dma_start3A_44 = arith.constant 0 : i32
        %dma_start3A_45 = tpu.memref_slice %arg4[%run_scoped3A, %select_n3A, %dma_start3A_44] : memref<2x2500x128xi32, #tpu.memory_space<hbm>> -> memref<1x78x128xi32, #tpu.memory_space<hbm>>
        %dma_start3A_46 = tpu.memref_squeeze %dma_start3A_45 : memref<1x78x128xi32, #tpu.memory_space<hbm>> -> memref<78x128xi32, #tpu.memory_space<hbm>>
        %dma_start3A_47 = arith.constant 0 : i32
        %dma_start3A_48 = arith.constant 0 : i32
        %dma_start3A_49 = tpu.memref_slice %arg6[%dma_start3A_47, %dma_start3A_48] : memref<79x128xi32, #tpu.memory_space<vmem>> -> memref<78x128xi32, #tpu.memory_space<vmem>>
        %dma_start3A_50 = arith.constant 0 : i32
        %dma_start3A_51 = tpu.memref_slice %arg4[%run_scoped3A, %select_n3A, %dma_start3A_50] : memref<2x2500x128xi32, #tpu.memory_space<hbm>> -> memref<1x78x128xi32, #tpu.memory_space<hbm>>
        %dma_start3A_52 = tpu.memref_squeeze %dma_start3A_51 : memref<1x78x128xi32, #tpu.memory_space<hbm>> -> memref<78x128xi32, #tpu.memory_space<hbm>>
        tpu.enqueue_dma source(%dma_start3A_52 : memref<78x128xi32, #tpu.memory_space<hbm>>) target(%dma_start3A_49 : memref<78x128xi32, #tpu.memory_space<vmem>>) target_semaphore(%run_scoped3A_40 : memref<!tpu.dma_semaphore, #tpu.memory_space<semaphore_mem>>)
        %dma_wait3A_53 = arith.constant 0 : i32
        %dma_wait3A_54 = arith.constant 0 : i32
        %dma_wait3A_55 = tpu.memref_slice %arg6[%dma_wait3A_53, %dma_wait3A_54] : memref<79x128xi32, #tpu.memory_space<vmem>> -> memref<78x128xi32, #tpu.memory_space<vmem>>
        %dma_wait3A_56 = arith.constant 0 : i32
        %dma_wait3A_57 = tpu.memref_slice %arg4[%run_scoped3A, %select_n3A, %dma_wait3A_56] : memref<2x2500x128xi32, #tpu.memory_space<hbm>> -> memref<1x78x128xi32, #tpu.memory_space<hbm>>
        %dma_wait3A_58 = tpu.memref_squeeze %dma_wait3A_57 : memref<1x78x128xi32, #tpu.memory_space<hbm>> -> memref<78x128xi32, #tpu.memory_space<hbm>>
        %dma_wait3A_59 = arith.constant 0 : i32
        %dma_wait3A_60 = arith.constant 0 : i32
        %dma_wait3A_61 = tpu.memref_slice %arg6[%dma_wait3A_59, %dma_wait3A_60] : memref<79x128xi32, #tpu.memory_space<vmem>> -> memref<78x128xi32, #tpu.memory_space<vmem>>
        %dma_wait3A_62 = arith.constant 0 : i32
        %dma_wait3A_63 = tpu.memref_slice %arg4[%run_scoped3A, %select_n3A, %dma_wait3A_62] : memref<2x2500x128xi32, #tpu.memory_space<hbm>> -> memref<1x78x128xi32, #tpu.memory_space<hbm>>
        %dma_wait3A_64 = tpu.memref_squeeze %dma_wait3A_63 : memref<1x78x128xi32, #tpu.memory_space<hbm>> -> memref<78x128xi32, #tpu.memory_space<hbm>>
        tpu.wait_dma2 semaphore(%run_scoped3A_40 : memref<!tpu.dma_semaphore, #tpu.memory_space<semaphore_mem>>) src(%dma_wait3A_64 : memref<78x128xi32, #tpu.memory_space<hbm>>) dst(%dma_wait3A_61 : memref<78x128xi32, #tpu.memory_space<vmem>>)
        tpu.yield
      }) : () -> ()
    } else {
    }
    %dma_wait3A = arith.constant 0 : i32
    %dma_wait3A_22 = tpu.memref_slice %arg8[%mul3A_2, %dma_wait3A] : memref<10112x16xf32, #tpu.memory_space<vmem_shared>> -> memref<632x16xf32, #tpu.memory_space<vmem_shared>>
    tpu.wait_dma2 semaphore(%arg9 : memref<!tpu.dma_semaphore, #tpu.memory_space<semaphore_mem>>) src(%arg2 : memref<632x16xf32, #tpu.memory_space<hbm>>) dst(%dma_wait3A_22 : memref<632x16xf32, #tpu.memory_space<vmem_shared>>)
    %barrier3A = arith.constant 0 : index
    tpu.barrier barrier_id(%barrier3A)
    %sub3A = arith.constant 0 : i32
    %sub3A_23 = arith.subi %select_n3A_13, %sub3A : i32
    %sub3A_24 = arith.constant 1 : i32
    %sub3A_25 = arith.constant 1 : i32
    %sub3A_26 = arith.subi %sub3A_24, %sub3A_25 : i32
    %add3A_27 = arith.addi %sub3A_23, %sub3A_26 : i32
    %div3A = arith.constant 1 : i32
    %div3A_28 = arith.divsi %add3A_27, %div3A : i32
    %while3A = arith.constant 1 : i32
    %while3A_29 = arith.constant 0 : i32
    %while3A_30 = arith.constant 0 : i32
    %while3A_31 = arith.subi %div3A_28, %while3A_30 : i32
    %while3A_32 = arith.addi %while3A_30, %while3A_31 : i32
    %while3A_33 = arith.constant 1 : i32
    %while3A_34 = arith.divsi %while3A_31, %while3A_33 : i32
    %while3A_35 = arith.muli %while3A_34, %while3A_33 : i32
    %while3A_36 = arith.addi %while3A_30, %while3A_35 : i32
    %while3A_37 = arith.constant 1 : i32
    scf.for %while3A_40 = %while3A_30 to %while3A_36 step %while3A_37  : i32 {
      %mul3A_41 = arith.muli %while3A_40, %while3A : i32
      %add3A_42 = arith.addi %while3A_29, %mul3A_41 : i32
      "tpu.region"() ({
        %run_scoped3A = tpu.sem_alloc : memref<!tpu.dma_semaphore, #tpu.memory_space<semaphore_mem>>
        %dma_start3A_43 = arith.constant 0 : i32
        %dma_start3A_44 = tpu.memref_slice %arg6[%add3A_42, %dma_start3A_43] : memref<79x128xi32, #tpu.memory_space<vmem>> -> memref<1x128xi32, #tpu.memory_space<vmem>>
        %dma_start3A_45 = tpu.memref_squeeze %dma_start3A_44 : memref<1x128xi32, #tpu.memory_space<vmem>> -> memref<128xi32, #tpu.memory_space<vmem>>
        %dma_start3A_46 = arith.constant 0 : i32
        %dma_start3A_47 = arith.constant 0 : i32
        %dma_start3A_48 = tpu.memref_slice %arg8[%dma_start3A_46, %dma_start3A_47] : memref<10112x16xf32, #tpu.memory_space<vmem_shared>> -> memref<10112x16xf32, #tpu.memory_space<vmem_shared>>
        tpu.enqueue_indirect_dma source(%arg7 : memref<128x16xf32, #tpu.memory_space<vmem>>) target(%dma_start3A_48 : memref<10112x16xf32, #tpu.memory_space<vmem_shared>>) offsets(%dma_start3A_45 : memref<128xi32, #tpu.memory_space<vmem>>) semaphore(%run_scoped3A : memref<!tpu.dma_semaphore, #tpu.memory_space<semaphore_mem>>) {add = true}
        %dma_wait3A_49 = arith.constant 0 : i32
        %dma_wait3A_50 = tpu.memref_slice %arg6[%add3A_42, %dma_wait3A_49] : memref<79x128xi32, #tpu.memory_space<vmem>> -> memref<1x128xi32, #tpu.memory_space<vmem>>
        %dma_wait3A_51 = tpu.memref_squeeze %dma_wait3A_50 : memref<1x128xi32, #tpu.memory_space<vmem>> -> memref<128xi32, #tpu.memory_space<vmem>>
        %dma_wait3A_52 = arith.constant 0 : i32
        %dma_wait3A_53 = arith.constant 0 : i32
        %dma_wait3A_54 = tpu.memref_slice %arg8[%dma_wait3A_52, %dma_wait3A_53] : memref<10112x16xf32, #tpu.memory_space<vmem_shared>> -> memref<10112x16xf32, #tpu.memory_space<vmem_shared>>
        tpu.wait_indirect_dma semaphore(%run_scoped3A : memref<!tpu.dma_semaphore, #tpu.memory_space<semaphore_mem>>) src(%arg7 : memref<128x16xf32, #tpu.memory_space<vmem>>) dst(%dma_wait3A_54 : memref<10112x16xf32, #tpu.memory_space<vmem_shared>>)
        tpu.yield
      }) : () -> ()
    }
    %while3A_38 = arith.constant 1 : i32
    scf.for %while3A_40 = %while3A_36 to %while3A_32 step %while3A_38  : i32 {
      %mul3A_41 = arith.muli %while3A_40, %while3A : i32
      %add3A_42 = arith.addi %while3A_29, %mul3A_41 : i32
      "tpu.region"() ({
        %run_scoped3A = tpu.sem_alloc : memref<!tpu.dma_semaphore, #tpu.memory_space<semaphore_mem>>
        %dma_start3A_43 = arith.constant 0 : i32
        %dma_start3A_44 = tpu.memref_slice %arg6[%add3A_42, %dma_start3A_43] : memref<79x128xi32, #tpu.memory_space<vmem>> -> memref<1x128xi32, #tpu.memory_space<vmem>>
        %dma_start3A_45 = tpu.memref_squeeze %dma_start3A_44 : memref<1x128xi32, #tpu.memory_space<vmem>> -> memref<128xi32, #tpu.memory_space<vmem>>
        %dma_start3A_46 = arith.constant 0 : i32
        %dma_start3A_47 = arith.constant 0 : i32
        %dma_start3A_48 = tpu.memref_slice %arg8[%dma_start3A_46, %dma_start3A_47] : memref<10112x16xf32, #tpu.memory_space<vmem_shared>> -> memref<10112x16xf32, #tpu.memory_space<vmem_shared>>
        tpu.enqueue_indirect_dma source(%arg7 : memref<128x16xf32, #tpu.memory_space<vmem>>) target(%dma_start3A_48 : memref<10112x16xf32, #tpu.memory_space<vmem_shared>>) offsets(%dma_start3A_45 : memref<128xi32, #tpu.memory_space<vmem>>) semaphore(%run_scoped3A : memref<!tpu.dma_semaphore, #tpu.memory_space<semaphore_mem>>) {add = true}
        %dma_wait3A_49 = arith.constant 0 : i32
        %dma_wait3A_50 = tpu.memref_slice %arg6[%add3A_42, %dma_wait3A_49] : memref<79x128xi32, #tpu.memory_space<vmem>> -> memref<1x128xi32, #tpu.memory_space<vmem>>
        %dma_wait3A_51 = tpu.memref_squeeze %dma_wait3A_50 : memref<1x128xi32, #tpu.memory_space<vmem>> -> memref<128xi32, #tpu.memory_space<vmem>>
        %dma_wait3A_52 = arith.constant 0 : i32
        %dma_wait3A_53 = arith.constant 0 : i32
        %dma_wait3A_54 = tpu.memref_slice %arg8[%dma_wait3A_52, %dma_wait3A_53] : memref<10112x16xf32, #tpu.memory_space<vmem_shared>> -> memref<10112x16xf32, #tpu.memory_space<vmem_shared>>
        tpu.wait_indirect_dma semaphore(%run_scoped3A : memref<!tpu.dma_semaphore, #tpu.memory_space<semaphore_mem>>) src(%arg7 : memref<128x16xf32, #tpu.memory_space<vmem>>) dst(%dma_wait3A_54 : memref<10112x16xf32, #tpu.memory_space<vmem_shared>>)
        tpu.yield
      }) : () -> ()
    }
    %barrier3A_39 = arith.constant 0 : index
    tpu.barrier barrier_id(%barrier3A_39)
    "tpu.region"() ({
      %run_scoped3A = tpu.sem_alloc : memref<!tpu.dma_semaphore, #tpu.memory_space<semaphore_mem>>
      %dma_start3A_40 = arith.constant 0 : i32
      %dma_start3A_41 = tpu.memref_slice %arg5[%arg0, %mul3A_2, %dma_start3A_40] : memref<2x10112x16xf32, #tpu.memory_space<hbm>> -> memref<1x632x16xf32, #tpu.memory_space<hbm>>
      %dma_start3A_42 = tpu.memref_squeeze %dma_start3A_41 : memref<1x632x16xf32, #tpu.memory_space<hbm>> -> memref<632x16xf32, #tpu.memory_space<hbm>>
      %dma_start3A_43 = arith.constant 0 : i32
      %dma_start3A_44 = tpu.memref_slice %arg8[%mul3A_2, %dma_start3A_43] : memref<10112x16xf32, #tpu.memory_space<vmem_shared>> -> memref<632x16xf32, #tpu.memory_space<vmem_shared>>
      tpu.enqueue_dma source(%dma_start3A_44 : memref<632x16xf32, #tpu.memory_space<vmem_shared>>) target(%dma_start3A_42 : memref<632x16xf32, #tpu.memory_space<hbm>>) target_semaphore(%run_scoped3A : memref<!tpu.dma_semaphore, #tpu.memory_space<semaphore_mem>>)
      %dma_wait3A_45 = arith.constant 0 : i32
      %dma_wait3A_46 = tpu.memref_slice %arg5[%arg0, %mul3A_2, %dma_wait3A_45] : memref<2x10112x16xf32, #tpu.memory_space<hbm>> -> memref<1x632x16xf32, #tpu.memory_space<hbm>>
      %dma_wait3A_47 = tpu.memref_squeeze %dma_wait3A_46 : memref<1x632x16xf32, #tpu.memory_space<hbm>> -> memref<632x16xf32, #tpu.memory_space<hbm>>
      %dma_wait3A_48 = arith.constant 0 : i32
      %dma_wait3A_49 = tpu.memref_slice %arg8[%mul3A_2, %dma_wait3A_48] : memref<10112x16xf32, #tpu.memory_space<vmem_shared>> -> memref<632x16xf32, #tpu.memory_space<vmem_shared>>
      tpu.wait_dma2 semaphore(%run_scoped3A : memref<!tpu.dma_semaphore, #tpu.memory_space<semaphore_mem>>) src(%dma_wait3A_49 : memref<632x16xf32, #tpu.memory_space<vmem_shared>>) dst(%dma_wait3A_47 : memref<632x16xf32, #tpu.memory_space<hbm>>)
      tpu.yield
    }) : () -> ()
    return
  }
}

#map = affine_map<(d0, d1) -> (0, 0)>
#map1 = affine_map<(d0, d1) -> (0, 0, 0)>
module attributes {stable_mosaic.version = 14 : i64} {
  func.func @segsum_kernel(%arg0: i32, %arg1: i32, %arg2: memref<10000x16xf32, #tpu.memory_space<hbm>>, %arg3: memref<632x16xf32, #tpu.memory_space<hbm>>, %arg4: memref<2x2500x128xi32, #tpu.memory_space<hbm>>, %arg5: memref<2x10112x16xf32, #tpu.memory_space<hbm>>, %arg6: memref<79x128xi32, #tpu.memory_space<vmem>>, %arg7: memref<79x128xi32, #tpu.memory_space<vmem>>, %arg8: memref<128x16xf32, #tpu.memory_space<vmem>>, %arg9: memref<128x16xf32, #tpu.memory_space<vmem>>, %arg10: memref<10000x16xf32, #tpu.memory_space<vmem_shared>>, %arg11: memref<10112x16xf32, #tpu.memory_space<vmem_shared>>, %arg12: memref<!tpu.dma_semaphore, #tpu.memory_space<semaphore_mem>>, %arg13: memref<!tpu.dma_semaphore, #tpu.memory_space<semaphore_mem>>) attributes {dimension_semantics = [#tpu.dimension_semantics<core_parallel>, #tpu.dimension_semantics<subcore_parallel>], iteration_bounds = array<i64: 2, 16>, scalar_prefetch = 0 : i64, scratch_operands = 8 : i64, tpu.core_type = #tpu.core_type<sc_vector_subcore>, window_params = [{transform_indices = #map}, {transform_indices = #map}, {transform_indices = #map1}, {transform_indices = #map1}]} {
    %mul3A = arith.constant 16 : i32
    %mul3A_0 = arith.muli %arg0, %mul3A : i32
    %add3A = arith.addi %mul3A_0, %arg1 : i32
    %mul3A_1 = arith.constant 632 : i32
    %mul3A_2 = arith.muli %arg1, %mul3A_1 : i32
    %lt3A = arith.constant 4 : i32
    %lt3A_3 = arith.cmpi slt, %add3A, %lt3A : i32
    %mul3A_4 = arith.constant 79 : i32
    %mul3A_5 = arith.muli %add3A, %mul3A_4 : i32
    %mul3A_6 = arith.constant 78 : i32
    %mul3A_7 = arith.muli %add3A, %mul3A_6 : i32
    %add3A_8 = arith.constant 4 : i32
    %add3A_9 = arith.addi %mul3A_7, %add3A_8 : i32
    %select_n3A = arith.select %lt3A_3, %mul3A_5, %add3A_9 : i32
    %lt3A_10 = arith.constant 4 : i32
    %lt3A_11 = arith.cmpi slt, %add3A, %lt3A_10 : i32
    %jit3A = arith.constant 79 : i32
    %jit3A_12 = arith.constant 78 : i32
    %select_n3A_13 = arith.select %lt3A_11, %jit3A, %jit3A_12 : i32
    %mul3A_14 = arith.constant 625 : i32
    %mul3A_15 = arith.muli %arg1, %mul3A_14 : i32
    %dma_start3A = arith.constant 0 : i32
    %dma_start3A_16 = tpu.memref_slice %arg10[%mul3A_15, %dma_start3A] : memref<10000x16xf32, #tpu.memory_space<vmem_shared>> -> memref<625x16xf32, #tpu.memory_space<vmem_shared>>
    %dma_start3A_17 = arith.constant 0 : i32
    %dma_start3A_18 = tpu.memref_slice %arg2[%mul3A_15, %dma_start3A_17] : memref<10000x16xf32, #tpu.memory_space<hbm>> -> memref<625x16xf32, #tpu.memory_space<hbm>>
    tpu.enqueue_dma source(%dma_start3A_18 : memref<625x16xf32, #tpu.memory_space<hbm>>) target(%dma_start3A_16 : memref<625x16xf32, #tpu.memory_space<vmem_shared>>) target_semaphore(%arg13 : memref<!tpu.dma_semaphore, #tpu.memory_space<semaphore_mem>>)
    %dma_start3A_19 = arith.constant 0 : i32
    %dma_start3A_20 = tpu.memref_slice %arg11[%mul3A_2, %dma_start3A_19] : memref<10112x16xf32, #tpu.memory_space<vmem_shared>> -> memref<632x16xf32, #tpu.memory_space<vmem_shared>>
    tpu.enqueue_dma source(%arg3 : memref<632x16xf32, #tpu.memory_space<hbm>>) target(%dma_start3A_20 : memref<632x16xf32, #tpu.memory_space<vmem_shared>>) target_semaphore(%arg12 : memref<!tpu.dma_semaphore, #tpu.memory_space<semaphore_mem>>)
    %lt3A_21 = arith.constant 4 : i32
    %lt3A_22 = arith.cmpi slt, %add3A, %lt3A_21 : i32
    %convert_element_type3A = arith.extui %lt3A_22 : i1 to i32
    %cond3A = arith.constant 0 : i32
    %cond3A_23 = arith.cmpi ne, %convert_element_type3A, %cond3A : i32
    scf.if %cond3A_23 {
      %run_scoped3A = arith.constant 0 : i32
      "tpu.region"() ({
        %run_scoped3A_58 = tpu.sem_alloc : memref<!tpu.dma_semaphore, #tpu.memory_space<semaphore_mem>>
        %dma_start3A_59 = arith.constant 0 : i32
        %dma_start3A_60 = tpu.memref_slice %arg4[%run_scoped3A, %select_n3A, %dma_start3A_59] : memref<2x2500x128xi32, #tpu.memory_space<hbm>> -> memref<1x79x128xi32, #tpu.memory_space<hbm>>
        %dma_start3A_61 = tpu.memref_squeeze %dma_start3A_60 : memref<1x79x128xi32, #tpu.memory_space<hbm>> -> memref<79x128xi32, #tpu.memory_space<hbm>>
        %dma_start3A_62 = arith.constant 0 : i32
        %dma_start3A_63 = tpu.memref_slice %arg4[%run_scoped3A, %select_n3A, %dma_start3A_62] : memref<2x2500x128xi32, #tpu.memory_space<hbm>> -> memref<1x79x128xi32, #tpu.memory_space<hbm>>
        %dma_start3A_64 = tpu.memref_squeeze %dma_start3A_63 : memref<1x79x128xi32, #tpu.memory_space<hbm>> -> memref<79x128xi32, #tpu.memory_space<hbm>>
        tpu.enqueue_dma source(%dma_start3A_64 : memref<79x128xi32, #tpu.memory_space<hbm>>) target(%arg6 : memref<79x128xi32, #tpu.memory_space<vmem>>) target_semaphore(%run_scoped3A_58 : memref<!tpu.dma_semaphore, #tpu.memory_space<semaphore_mem>>)
        %dma_wait3A_65 = arith.constant 0 : i32
        %dma_wait3A_66 = tpu.memref_slice %arg4[%run_scoped3A, %select_n3A, %dma_wait3A_65] : memref<2x2500x128xi32, #tpu.memory_space<hbm>> -> memref<1x79x128xi32, #tpu.memory_space<hbm>>
        %dma_wait3A_67 = tpu.memref_squeeze %dma_wait3A_66 : memref<1x79x128xi32, #tpu.memory_space<hbm>> -> memref<79x128xi32, #tpu.memory_space<hbm>>
        %dma_wait3A_68 = arith.constant 0 : i32
        %dma_wait3A_69 = tpu.memref_slice %arg4[%run_scoped3A, %select_n3A, %dma_wait3A_68] : memref<2x2500x128xi32, #tpu.memory_space<hbm>> -> memref<1x79x128xi32, #tpu.memory_space<hbm>>
        %dma_wait3A_70 = tpu.memref_squeeze %dma_wait3A_69 : memref<1x79x128xi32, #tpu.memory_space<hbm>> -> memref<79x128xi32, #tpu.memory_space<hbm>>
        tpu.wait_dma2 semaphore(%run_scoped3A_58 : memref<!tpu.dma_semaphore, #tpu.memory_space<semaphore_mem>>) src(%dma_wait3A_70 : memref<79x128xi32, #tpu.memory_space<hbm>>) dst(%arg6 : memref<79x128xi32, #tpu.memory_space<vmem>>)
        tpu.yield
      }) : () -> ()
      %run_scoped3A_57 = arith.constant 1 : i32
      "tpu.region"() ({
        %run_scoped3A_58 = tpu.sem_alloc : memref<!tpu.dma_semaphore, #tpu.memory_space<semaphore_mem>>
        %dma_start3A_59 = arith.constant 0 : i32
        %dma_start3A_60 = tpu.memref_slice %arg4[%run_scoped3A_57, %select_n3A, %dma_start3A_59] : memref<2x2500x128xi32, #tpu.memory_space<hbm>> -> memref<1x79x128xi32, #tpu.memory_space<hbm>>
        %dma_start3A_61 = tpu.memref_squeeze %dma_start3A_60 : memref<1x79x128xi32, #tpu.memory_space<hbm>> -> memref<79x128xi32, #tpu.memory_space<hbm>>
        %dma_start3A_62 = arith.constant 0 : i32
        %dma_start3A_63 = tpu.memref_slice %arg4[%run_scoped3A_57, %select_n3A, %dma_start3A_62] : memref<2x2500x128xi32, #tpu.memory_space<hbm>> -> memref<1x79x128xi32, #tpu.memory_space<hbm>>
        %dma_start3A_64 = tpu.memref_squeeze %dma_start3A_63 : memref<1x79x128xi32, #tpu.memory_space<hbm>> -> memref<79x128xi32, #tpu.memory_space<hbm>>
        tpu.enqueue_dma source(%dma_start3A_64 : memref<79x128xi32, #tpu.memory_space<hbm>>) target(%arg7 : memref<79x128xi32, #tpu.memory_space<vmem>>) target_semaphore(%run_scoped3A_58 : memref<!tpu.dma_semaphore, #tpu.memory_space<semaphore_mem>>)
        %dma_wait3A_65 = arith.constant 0 : i32
        %dma_wait3A_66 = tpu.memref_slice %arg4[%run_scoped3A_57, %select_n3A, %dma_wait3A_65] : memref<2x2500x128xi32, #tpu.memory_space<hbm>> -> memref<1x79x128xi32, #tpu.memory_space<hbm>>
        %dma_wait3A_67 = tpu.memref_squeeze %dma_wait3A_66 : memref<1x79x128xi32, #tpu.memory_space<hbm>> -> memref<79x128xi32, #tpu.memory_space<hbm>>
        %dma_wait3A_68 = arith.constant 0 : i32
        %dma_wait3A_69 = tpu.memref_slice %arg4[%run_scoped3A_57, %select_n3A, %dma_wait3A_68] : memref<2x2500x128xi32, #tpu.memory_space<hbm>> -> memref<1x79x128xi32, #tpu.memory_space<hbm>>
        %dma_wait3A_70 = tpu.memref_squeeze %dma_wait3A_69 : memref<1x79x128xi32, #tpu.memory_space<hbm>> -> memref<79x128xi32, #tpu.memory_space<hbm>>
        tpu.wait_dma2 semaphore(%run_scoped3A_58 : memref<!tpu.dma_semaphore, #tpu.memory_space<semaphore_mem>>) src(%dma_wait3A_70 : memref<79x128xi32, #tpu.memory_space<hbm>>) dst(%arg7 : memref<79x128xi32, #tpu.memory_space<vmem>>)
        tpu.yield
      }) : () -> ()
    } else {
    }
    %ge3A = arith.constant 4 : i32
    %ge3A_24 = arith.cmpi sge, %add3A, %ge3A : i32
    %convert_element_type3A_25 = arith.extui %ge3A_24 : i1 to i32
    %cond3A_26 = arith.constant 0 : i32
    %cond3A_27 = arith.cmpi ne, %convert_element_type3A_25, %cond3A_26 : i32
    scf.if %cond3A_27 {
      %run_scoped3A = arith.constant 0 : i32
      "tpu.region"() ({
        %run_scoped3A_58 = tpu.sem_alloc : memref<!tpu.dma_semaphore, #tpu.memory_space<semaphore_mem>>
        %dma_start3A_59 = arith.constant 0 : i32
        %dma_start3A_60 = arith.constant 0 : i32
        %dma_start3A_61 = tpu.memref_slice %arg6[%dma_start3A_59, %dma_start3A_60] : memref<79x128xi32, #tpu.memory_space<vmem>> -> memref<78x128xi32, #tpu.memory_space<vmem>>
        %dma_start3A_62 = arith.constant 0 : i32
        %dma_start3A_63 = tpu.memref_slice %arg4[%run_scoped3A, %select_n3A, %dma_start3A_62] : memref<2x2500x128xi32, #tpu.memory_space<hbm>> -> memref<1x78x128xi32, #tpu.memory_space<hbm>>
        %dma_start3A_64 = tpu.memref_squeeze %dma_start3A_63 : memref<1x78x128xi32, #tpu.memory_space<hbm>> -> memref<78x128xi32, #tpu.memory_space<hbm>>
        %dma_start3A_65 = arith.constant 0 : i32
        %dma_start3A_66 = arith.constant 0 : i32
        %dma_start3A_67 = tpu.memref_slice %arg6[%dma_start3A_65, %dma_start3A_66] : memref<79x128xi32, #tpu.memory_space<vmem>> -> memref<78x128xi32, #tpu.memory_space<vmem>>
        %dma_start3A_68 = arith.constant 0 : i32
        %dma_start3A_69 = tpu.memref_slice %arg4[%run_scoped3A, %select_n3A, %dma_start3A_68] : memref<2x2500x128xi32, #tpu.memory_space<hbm>> -> memref<1x78x128xi32, #tpu.memory_space<hbm>>
        %dma_start3A_70 = tpu.memref_squeeze %dma_start3A_69 : memref<1x78x128xi32, #tpu.memory_space<hbm>> -> memref<78x128xi32, #tpu.memory_space<hbm>>
        tpu.enqueue_dma source(%dma_start3A_70 : memref<78x128xi32, #tpu.memory_space<hbm>>) target(%dma_start3A_67 : memref<78x128xi32, #tpu.memory_space<vmem>>) target_semaphore(%run_scoped3A_58 : memref<!tpu.dma_semaphore, #tpu.memory_space<semaphore_mem>>)
        %dma_wait3A_71 = arith.constant 0 : i32
        %dma_wait3A_72 = arith.constant 0 : i32
        %dma_wait3A_73 = tpu.memref_slice %arg6[%dma_wait3A_71, %dma_wait3A_72] : memref<79x128xi32, #tpu.memory_space<vmem>> -> memref<78x128xi32, #tpu.memory_space<vmem>>
        %dma_wait3A_74 = arith.constant 0 : i32
        %dma_wait3A_75 = tpu.memref_slice %arg4[%run_scoped3A, %select_n3A, %dma_wait3A_74] : memref<2x2500x128xi32, #tpu.memory_space<hbm>> -> memref<1x78x128xi32, #tpu.memory_space<hbm>>
        %dma_wait3A_76 = tpu.memref_squeeze %dma_wait3A_75 : memref<1x78x128xi32, #tpu.memory_space<hbm>> -> memref<78x128xi32, #tpu.memory_space<hbm>>
        %dma_wait3A_77 = arith.constant 0 : i32
        %dma_wait3A_78 = arith.constant 0 : i32
        %dma_wait3A_79 = tpu.memref_slice %arg6[%dma_wait3A_77, %dma_wait3A_78] : memref<79x128xi32, #tpu.memory_space<vmem>> -> memref<78x128xi32, #tpu.memory_space<vmem>>
        %dma_wait3A_80 = arith.constant 0 : i32
        %dma_wait3A_81 = tpu.memref_slice %arg4[%run_scoped3A, %select_n3A, %dma_wait3A_80] : memref<2x2500x128xi32, #tpu.memory_space<hbm>> -> memref<1x78x128xi32, #tpu.memory_space<hbm>>
        %dma_wait3A_82 = tpu.memref_squeeze %dma_wait3A_81 : memref<1x78x128xi32, #tpu.memory_space<hbm>> -> memref<78x128xi32, #tpu.memory_space<hbm>>
        tpu.wait_dma2 semaphore(%run_scoped3A_58 : memref<!tpu.dma_semaphore, #tpu.memory_space<semaphore_mem>>) src(%dma_wait3A_82 : memref<78x128xi32, #tpu.memory_space<hbm>>) dst(%dma_wait3A_79 : memref<78x128xi32, #tpu.memory_space<vmem>>)
        tpu.yield
      }) : () -> ()
      %run_scoped3A_57 = arith.constant 1 : i32
      "tpu.region"() ({
        %run_scoped3A_58 = tpu.sem_alloc : memref<!tpu.dma_semaphore, #tpu.memory_space<semaphore_mem>>
        %dma_start3A_59 = arith.constant 0 : i32
        %dma_start3A_60 = arith.constant 0 : i32
        %dma_start3A_61 = tpu.memref_slice %arg7[%dma_start3A_59, %dma_start3A_60] : memref<79x128xi32, #tpu.memory_space<vmem>> -> memref<78x128xi32, #tpu.memory_space<vmem>>
        %dma_start3A_62 = arith.constant 0 : i32
        %dma_start3A_63 = tpu.memref_slice %arg4[%run_scoped3A_57, %select_n3A, %dma_start3A_62] : memref<2x2500x128xi32, #tpu.memory_space<hbm>> -> memref<1x78x128xi32, #tpu.memory_space<hbm>>
        %dma_start3A_64 = tpu.memref_squeeze %dma_start3A_63 : memref<1x78x128xi32, #tpu.memory_space<hbm>> -> memref<78x128xi32, #tpu.memory_space<hbm>>
        %dma_start3A_65 = arith.constant 0 : i32
        %dma_start3A_66 = arith.constant 0 : i32
        %dma_start3A_67 = tpu.memref_slice %arg7[%dma_start3A_65, %dma_start3A_66] : memref<79x128xi32, #tpu.memory_space<vmem>> -> memref<78x128xi32, #tpu.memory_space<vmem>>
        %dma_start3A_68 = arith.constant 0 : i32
        %dma_start3A_69 = tpu.memref_slice %arg4[%run_scoped3A_57, %select_n3A, %dma_start3A_68] : memref<2x2500x128xi32, #tpu.memory_space<hbm>> -> memref<1x78x128xi32, #tpu.memory_space<hbm>>
        %dma_start3A_70 = tpu.memref_squeeze %dma_start3A_69 : memref<1x78x128xi32, #tpu.memory_space<hbm>> -> memref<78x128xi32, #tpu.memory_space<hbm>>
        tpu.enqueue_dma source(%dma_start3A_70 : memref<78x128xi32, #tpu.memory_space<hbm>>) target(%dma_start3A_67 : memref<78x128xi32, #tpu.memory_space<vmem>>) target_semaphore(%run_scoped3A_58 : memref<!tpu.dma_semaphore, #tpu.memory_space<semaphore_mem>>)
        %dma_wait3A_71 = arith.constant 0 : i32
        %dma_wait3A_72 = arith.constant 0 : i32
        %dma_wait3A_73 = tpu.memref_slice %arg7[%dma_wait3A_71, %dma_wait3A_72] : memref<79x128xi32, #tpu.memory_space<vmem>> -> memref<78x128xi32, #tpu.memory_space<vmem>>
        %dma_wait3A_74 = arith.constant 0 : i32
        %dma_wait3A_75 = tpu.memref_slice %arg4[%run_scoped3A_57, %select_n3A, %dma_wait3A_74] : memref<2x2500x128xi32, #tpu.memory_space<hbm>> -> memref<1x78x128xi32, #tpu.memory_space<hbm>>
        %dma_wait3A_76 = tpu.memref_squeeze %dma_wait3A_75 : memref<1x78x128xi32, #tpu.memory_space<hbm>> -> memref<78x128xi32, #tpu.memory_space<hbm>>
        %dma_wait3A_77 = arith.constant 0 : i32
        %dma_wait3A_78 = arith.constant 0 : i32
        %dma_wait3A_79 = tpu.memref_slice %arg7[%dma_wait3A_77, %dma_wait3A_78] : memref<79x128xi32, #tpu.memory_space<vmem>> -> memref<78x128xi32, #tpu.memory_space<vmem>>
        %dma_wait3A_80 = arith.constant 0 : i32
        %dma_wait3A_81 = tpu.memref_slice %arg4[%run_scoped3A_57, %select_n3A, %dma_wait3A_80] : memref<2x2500x128xi32, #tpu.memory_space<hbm>> -> memref<1x78x128xi32, #tpu.memory_space<hbm>>
        %dma_wait3A_82 = tpu.memref_squeeze %dma_wait3A_81 : memref<1x78x128xi32, #tpu.memory_space<hbm>> -> memref<78x128xi32, #tpu.memory_space<hbm>>
        tpu.wait_dma2 semaphore(%run_scoped3A_58 : memref<!tpu.dma_semaphore, #tpu.memory_space<semaphore_mem>>) src(%dma_wait3A_82 : memref<78x128xi32, #tpu.memory_space<hbm>>) dst(%dma_wait3A_79 : memref<78x128xi32, #tpu.memory_space<vmem>>)
        tpu.yield
      }) : () -> ()
    } else {
    }
    %dma_wait3A = arith.constant 0 : i32
    %dma_wait3A_28 = tpu.memref_slice %arg11[%mul3A_2, %dma_wait3A] : memref<10112x16xf32, #tpu.memory_space<vmem_shared>> -> memref<632x16xf32, #tpu.memory_space<vmem_shared>>
    tpu.wait_dma2 semaphore(%arg12 : memref<!tpu.dma_semaphore, #tpu.memory_space<semaphore_mem>>) src(%arg3 : memref<632x16xf32, #tpu.memory_space<hbm>>) dst(%dma_wait3A_28 : memref<632x16xf32, #tpu.memory_space<vmem_shared>>)
    %dma_wait3A_29 = arith.constant 0 : i32
    %dma_wait3A_30 = tpu.memref_slice %arg10[%mul3A_15, %dma_wait3A_29] : memref<10000x16xf32, #tpu.memory_space<vmem_shared>> -> memref<625x16xf32, #tpu.memory_space<vmem_shared>>
    %dma_wait3A_31 = arith.constant 0 : i32
    %dma_wait3A_32 = tpu.memref_slice %arg2[%mul3A_15, %dma_wait3A_31] : memref<10000x16xf32, #tpu.memory_space<hbm>> -> memref<625x16xf32, #tpu.memory_space<hbm>>
    tpu.wait_dma2 semaphore(%arg13 : memref<!tpu.dma_semaphore, #tpu.memory_space<semaphore_mem>>) src(%dma_wait3A_32 : memref<625x16xf32, #tpu.memory_space<hbm>>) dst(%dma_wait3A_30 : memref<625x16xf32, #tpu.memory_space<vmem_shared>>)
    %barrier3A = arith.constant 0 : index
    tpu.barrier barrier_id(%barrier3A)
    %dma_start3A_33 = arith.constant 0 : i32
    %dma_start3A_34 = arith.constant 0 : i32
    %dma_start3A_35 = tpu.memref_slice %arg6[%dma_start3A_33, %dma_start3A_34] : memref<79x128xi32, #tpu.memory_space<vmem>> -> memref<1x128xi32, #tpu.memory_space<vmem>>
    %dma_start3A_36 = tpu.memref_squeeze %dma_start3A_35 : memref<1x128xi32, #tpu.memory_space<vmem>> -> memref<128xi32, #tpu.memory_space<vmem>>
    %dma_start3A_37 = arith.constant 0 : i32
    %dma_start3A_38 = arith.constant 0 : i32
    %dma_start3A_39 = tpu.memref_slice %arg10[%dma_start3A_37, %dma_start3A_38] : memref<10000x16xf32, #tpu.memory_space<vmem_shared>> -> memref<10000x16xf32, #tpu.memory_space<vmem_shared>>
    tpu.enqueue_indirect_dma source(%dma_start3A_39 : memref<10000x16xf32, #tpu.memory_space<vmem_shared>>) target(%arg8 : memref<128x16xf32, #tpu.memory_space<vmem>>) offsets(%dma_start3A_36 : memref<128xi32, #tpu.memory_space<vmem>>) semaphore(%arg12 : memref<!tpu.dma_semaphore, #tpu.memory_space<semaphore_mem>>)
    %dma_start3A_40 = arith.constant 1 : i32
    %dma_start3A_41 = arith.constant 0 : i32
    %dma_start3A_42 = tpu.memref_slice %arg6[%dma_start3A_40, %dma_start3A_41] : memref<79x128xi32, #tpu.memory_space<vmem>> -> memref<1x128xi32, #tpu.memory_space<vmem>>
    %dma_start3A_43 = tpu.memref_squeeze %dma_start3A_42 : memref<1x128xi32, #tpu.memory_space<vmem>> -> memref<128xi32, #tpu.memory_space<vmem>>
    %dma_start3A_44 = arith.constant 0 : i32
    %dma_start3A_45 = arith.constant 0 : i32
    %dma_start3A_46 = tpu.memref_slice %arg10[%dma_start3A_44, %dma_start3A_45] : memref<10000x16xf32, #tpu.memory_space<vmem_shared>> -> memref<10000x16xf32, #tpu.memory_space<vmem_shared>>
    tpu.enqueue_indirect_dma source(%dma_start3A_46 : memref<10000x16xf32, #tpu.memory_space<vmem_shared>>) target(%arg9 : memref<128x16xf32, #tpu.memory_space<vmem>>) offsets(%dma_start3A_43 : memref<128xi32, #tpu.memory_space<vmem>>) semaphore(%arg13 : memref<!tpu.dma_semaphore, #tpu.memory_space<semaphore_mem>>)
    %scan3A = arith.constant 0 : i32
    %scan3A_47 = arith.constant 39 : i32
    %scan3A_48 = arith.addi %scan3A, %scan3A_47 : i32
    %scan3A_49 = arith.constant 1 : i32
    scf.for %scan3A_57 = %scan3A to %scan3A_48 step %scan3A_49  : i32 {
      %mul3A_58 = arith.constant 2 : i32
      %mul3A_59 = arith.muli %scan3A_57, %mul3A_58 : i32
      %add3A_60 = arith.constant 0 : i32
      %add3A_61 = arith.addi %add3A_60, %mul3A_59 : i32
      %dma_wait3A_62 = arith.constant 0 : i32
      %dma_wait3A_63 = tpu.memref_slice %arg6[%add3A_61, %dma_wait3A_62] : memref<79x128xi32, #tpu.memory_space<vmem>> -> memref<1x128xi32, #tpu.memory_space<vmem>>
      %dma_wait3A_64 = tpu.memref_squeeze %dma_wait3A_63 : memref<1x128xi32, #tpu.memory_space<vmem>> -> memref<128xi32, #tpu.memory_space<vmem>>
      %dma_wait3A_65 = arith.constant 0 : i32
      %dma_wait3A_66 = arith.constant 0 : i32
      %dma_wait3A_67 = tpu.memref_slice %arg10[%dma_wait3A_65, %dma_wait3A_66] : memref<10000x16xf32, #tpu.memory_space<vmem_shared>> -> memref<10000x16xf32, #tpu.memory_space<vmem_shared>>
      tpu.wait_indirect_dma semaphore(%arg12 : memref<!tpu.dma_semaphore, #tpu.memory_space<semaphore_mem>>) src(%dma_wait3A_67 : memref<10000x16xf32, #tpu.memory_space<vmem_shared>>) dst(%arg8 : memref<128x16xf32, #tpu.memory_space<vmem>>)
      "tpu.region"() ({
        %run_scoped3A = tpu.sem_alloc : memref<!tpu.dma_semaphore, #tpu.memory_space<semaphore_mem>>
        %dma_start3A_92 = arith.constant 0 : i32
        %dma_start3A_93 = tpu.memref_slice %arg7[%add3A_61, %dma_start3A_92] : memref<79x128xi32, #tpu.memory_space<vmem>> -> memref<1x128xi32, #tpu.memory_space<vmem>>
        %dma_start3A_94 = tpu.memref_squeeze %dma_start3A_93 : memref<1x128xi32, #tpu.memory_space<vmem>> -> memref<128xi32, #tpu.memory_space<vmem>>
        %dma_start3A_95 = arith.constant 0 : i32
        %dma_start3A_96 = arith.constant 0 : i32
        %dma_start3A_97 = tpu.memref_slice %arg11[%dma_start3A_95, %dma_start3A_96] : memref<10112x16xf32, #tpu.memory_space<vmem_shared>> -> memref<10112x16xf32, #tpu.memory_space<vmem_shared>>
        tpu.enqueue_indirect_dma source(%arg8 : memref<128x16xf32, #tpu.memory_space<vmem>>) target(%dma_start3A_97 : memref<10112x16xf32, #tpu.memory_space<vmem_shared>>) offsets(%dma_start3A_94 : memref<128xi32, #tpu.memory_space<vmem>>) semaphore(%run_scoped3A : memref<!tpu.dma_semaphore, #tpu.memory_space<semaphore_mem>>) {add = true}
        %dma_wait3A_98 = arith.constant 0 : i32
        %dma_wait3A_99 = tpu.memref_slice %arg7[%add3A_61, %dma_wait3A_98] : memref<79x128xi32, #tpu.memory_space<vmem>> -> memref<1x128xi32, #tpu.memory_space<vmem>>
        %dma_wait3A_100 = tpu.memref_squeeze %dma_wait3A_99 : memref<1x128xi32, #tpu.memory_space<vmem>> -> memref<128xi32, #tpu.memory_space<vmem>>
        %dma_wait3A_101 = arith.constant 0 : i32
        %dma_wait3A_102 = arith.constant 0 : i32
        %dma_wait3A_103 = tpu.memref_slice %arg11[%dma_wait3A_101, %dma_wait3A_102] : memref<10112x16xf32, #tpu.memory_space<vmem_shared>> -> memref<10112x16xf32, #tpu.memory_space<vmem_shared>>
        tpu.wait_indirect_dma semaphore(%run_scoped3A : memref<!tpu.dma_semaphore, #tpu.memory_space<semaphore_mem>>) src(%arg8 : memref<128x16xf32, #tpu.memory_space<vmem>>) dst(%dma_wait3A_103 : memref<10112x16xf32, #tpu.memory_space<vmem_shared>>)
        tpu.yield
      }) : () -> ()
      %add3A_68 = arith.constant 2 : i32
      %add3A_69 = arith.addi %add3A_61, %add3A_68 : i32
      %lt3A_70 = arith.constant 78 : i32
      %lt3A_71 = arith.cmpi slt, %add3A_69, %lt3A_70 : i32
      %convert_element_type3A_72 = arith.extui %lt3A_71 : i1 to i32
      %cond3A_73 = arith.constant 0 : i32
      %cond3A_74 = arith.cmpi ne, %convert_element_type3A_72, %cond3A_73 : i32
      scf.if %cond3A_74 {
        %add3A_92 = arith.constant 2 : i32
        %add3A_93 = arith.addi %add3A_61, %add3A_92 : i32
        %dma_start3A_94 = arith.constant 0 : i32
        %dma_start3A_95 = tpu.memref_slice %arg6[%add3A_93, %dma_start3A_94] : memref<79x128xi32, #tpu.memory_space<vmem>> -> memref<1x128xi32, #tpu.memory_space<vmem>>
        %dma_start3A_96 = tpu.memref_squeeze %dma_start3A_95 : memref<1x128xi32, #tpu.memory_space<vmem>> -> memref<128xi32, #tpu.memory_space<vmem>>
        %dma_start3A_97 = arith.constant 0 : i32
        %dma_start3A_98 = arith.constant 0 : i32
        %dma_start3A_99 = tpu.memref_slice %arg10[%dma_start3A_97, %dma_start3A_98] : memref<10000x16xf32, #tpu.memory_space<vmem_shared>> -> memref<10000x16xf32, #tpu.memory_space<vmem_shared>>
        tpu.enqueue_indirect_dma source(%dma_start3A_99 : memref<10000x16xf32, #tpu.memory_space<vmem_shared>>) target(%arg8 : memref<128x16xf32, #tpu.memory_space<vmem>>) offsets(%dma_start3A_96 : memref<128xi32, #tpu.memory_space<vmem>>) semaphore(%arg12 : memref<!tpu.dma_semaphore, #tpu.memory_space<semaphore_mem>>)
      } else {
      }
      %add3A_75 = arith.constant 1 : i32
      %add3A_76 = arith.addi %add3A_61, %add3A_75 : i32
      %dma_wait3A_77 = arith.constant 0 : i32
      %dma_wait3A_78 = tpu.memref_slice %arg6[%add3A_76, %dma_wait3A_77] : memref<79x128xi32, #tpu.memory_space<vmem>> -> memref<1x128xi32, #tpu.memory_space<vmem>>
      %dma_wait3A_79 = tpu.memref_squeeze %dma_wait3A_78 : memref<1x128xi32, #tpu.memory_space<vmem>> -> memref<128xi32, #tpu.memory_space<vmem>>
      %dma_wait3A_80 = arith.constant 0 : i32
      %dma_wait3A_81 = arith.constant 0 : i32
      %dma_wait3A_82 = tpu.memref_slice %arg10[%dma_wait3A_80, %dma_wait3A_81] : memref<10000x16xf32, #tpu.memory_space<vmem_shared>> -> memref<10000x16xf32, #tpu.memory_space<vmem_shared>>
      tpu.wait_indirect_dma semaphore(%arg13 : memref<!tpu.dma_semaphore, #tpu.memory_space<semaphore_mem>>) src(%dma_wait3A_82 : memref<10000x16xf32, #tpu.memory_space<vmem_shared>>) dst(%arg9 : memref<128x16xf32, #tpu.memory_space<vmem>>)
      %add3A_83 = arith.constant 1 : i32
      %add3A_84 = arith.addi %add3A_61, %add3A_83 : i32
      "tpu.region"() ({
        %run_scoped3A = tpu.sem_alloc : memref<!tpu.dma_semaphore, #tpu.memory_space<semaphore_mem>>
        %dma_start3A_92 = arith.constant 0 : i32
        %dma_start3A_93 = tpu.memref_slice %arg7[%add3A_84, %dma_start3A_92] : memref<79x128xi32, #tpu.memory_space<vmem>> -> memref<1x128xi32, #tpu.memory_space<vmem>>
        %dma_start3A_94 = tpu.memref_squeeze %dma_start3A_93 : memref<1x128xi32, #tpu.memory_space<vmem>> -> memref<128xi32, #tpu.memory_space<vmem>>
        %dma_start3A_95 = arith.constant 0 : i32
        %dma_start3A_96 = arith.constant 0 : i32
        %dma_start3A_97 = tpu.memref_slice %arg11[%dma_start3A_95, %dma_start3A_96] : memref<10112x16xf32, #tpu.memory_space<vmem_shared>> -> memref<10112x16xf32, #tpu.memory_space<vmem_shared>>
        tpu.enqueue_indirect_dma source(%arg9 : memref<128x16xf32, #tpu.memory_space<vmem>>) target(%dma_start3A_97 : memref<10112x16xf32, #tpu.memory_space<vmem_shared>>) offsets(%dma_start3A_94 : memref<128xi32, #tpu.memory_space<vmem>>) semaphore(%run_scoped3A : memref<!tpu.dma_semaphore, #tpu.memory_space<semaphore_mem>>) {add = true}
        %dma_wait3A_98 = arith.constant 0 : i32
        %dma_wait3A_99 = tpu.memref_slice %arg7[%add3A_84, %dma_wait3A_98] : memref<79x128xi32, #tpu.memory_space<vmem>> -> memref<1x128xi32, #tpu.memory_space<vmem>>
        %dma_wait3A_100 = tpu.memref_squeeze %dma_wait3A_99 : memref<1x128xi32, #tpu.memory_space<vmem>> -> memref<128xi32, #tpu.memory_space<vmem>>
        %dma_wait3A_101 = arith.constant 0 : i32
        %dma_wait3A_102 = arith.constant 0 : i32
        %dma_wait3A_103 = tpu.memref_slice %arg11[%dma_wait3A_101, %dma_wait3A_102] : memref<10112x16xf32, #tpu.memory_space<vmem_shared>> -> memref<10112x16xf32, #tpu.memory_space<vmem_shared>>
        tpu.wait_indirect_dma semaphore(%run_scoped3A : memref<!tpu.dma_semaphore, #tpu.memory_space<semaphore_mem>>) src(%arg9 : memref<128x16xf32, #tpu.memory_space<vmem>>) dst(%dma_wait3A_103 : memref<10112x16xf32, #tpu.memory_space<vmem_shared>>)
        tpu.yield
      }) : () -> ()
      %add3A_85 = arith.constant 3 : i32
      %add3A_86 = arith.addi %add3A_61, %add3A_85 : i32
      %lt3A_87 = arith.constant 78 : i32
      %lt3A_88 = arith.cmpi slt, %add3A_86, %lt3A_87 : i32
      %convert_element_type3A_89 = arith.extui %lt3A_88 : i1 to i32
      %cond3A_90 = arith.constant 0 : i32
      %cond3A_91 = arith.cmpi ne, %convert_element_type3A_89, %cond3A_90 : i32
      scf.if %cond3A_91 {
        %add3A_92 = arith.constant 3 : i32
        %add3A_93 = arith.addi %add3A_61, %add3A_92 : i32
        %dma_start3A_94 = arith.constant 0 : i32
        %dma_start3A_95 = tpu.memref_slice %arg6[%add3A_93, %dma_start3A_94] : memref<79x128xi32, #tpu.memory_space<vmem>> -> memref<1x128xi32, #tpu.memory_space<vmem>>
        %dma_start3A_96 = tpu.memref_squeeze %dma_start3A_95 : memref<1x128xi32, #tpu.memory_space<vmem>> -> memref<128xi32, #tpu.memory_space<vmem>>
        %dma_start3A_97 = arith.constant 0 : i32
        %dma_start3A_98 = arith.constant 0 : i32
        %dma_start3A_99 = tpu.memref_slice %arg10[%dma_start3A_97, %dma_start3A_98] : memref<10000x16xf32, #tpu.memory_space<vmem_shared>> -> memref<10000x16xf32, #tpu.memory_space<vmem_shared>>
        tpu.enqueue_indirect_dma source(%dma_start3A_99 : memref<10000x16xf32, #tpu.memory_space<vmem_shared>>) target(%arg9 : memref<128x16xf32, #tpu.memory_space<vmem>>) offsets(%dma_start3A_96 : memref<128xi32, #tpu.memory_space<vmem>>) semaphore(%arg13 : memref<!tpu.dma_semaphore, #tpu.memory_space<semaphore_mem>>)
      } else {
      }
    }
    %scan3A_50 = arith.constant 39 : i32
    %lt3A_51 = arith.constant 4 : i32
    %lt3A_52 = arith.cmpi slt, %add3A, %lt3A_51 : i32
    %convert_element_type3A_53 = arith.extui %lt3A_52 : i1 to i32
    %cond3A_54 = arith.constant 0 : i32
    %cond3A_55 = arith.cmpi ne, %convert_element_type3A_53, %cond3A_54 : i32
    scf.if %cond3A_55 {
      %dma_start3A_57 = arith.constant 78 : i32
      %dma_start3A_58 = arith.constant 0 : i32
      %dma_start3A_59 = tpu.memref_slice %arg6[%dma_start3A_57, %dma_start3A_58] : memref<79x128xi32, #tpu.memory_space<vmem>> -> memref<1x128xi32, #tpu.memory_space<vmem>>
      %dma_start3A_60 = tpu.memref_squeeze %dma_start3A_59 : memref<1x128xi32, #tpu.memory_space<vmem>> -> memref<128xi32, #tpu.memory_space<vmem>>
      %dma_start3A_61 = arith.constant 0 : i32
      %dma_start3A_62 = arith.constant 0 : i32
      %dma_start3A_63 = tpu.memref_slice %arg10[%dma_start3A_61, %dma_start3A_62] : memref<10000x16xf32, #tpu.memory_space<vmem_shared>> -> memref<10000x16xf32, #tpu.memory_space<vmem_shared>>
      tpu.enqueue_indirect_dma source(%dma_start3A_63 : memref<10000x16xf32, #tpu.memory_space<vmem_shared>>) target(%arg8 : memref<128x16xf32, #tpu.memory_space<vmem>>) offsets(%dma_start3A_60 : memref<128xi32, #tpu.memory_space<vmem>>) semaphore(%arg12 : memref<!tpu.dma_semaphore, #tpu.memory_space<semaphore_mem>>)
      %dma_wait3A_64 = arith.constant 78 : i32
      %dma_wait3A_65 = arith.constant 0 : i32
      %dma_wait3A_66 = tpu.memref_slice %arg6[%dma_wait3A_64, %dma_wait3A_65] : memref<79x128xi32, #tpu.memory_space<vmem>> -> memref<1x128xi32, #tpu.memory_space<vmem>>
      %dma_wait3A_67 = tpu.memref_squeeze %dma_wait3A_66 : memref<1x128xi32, #tpu.memory_space<vmem>> -> memref<128xi32, #tpu.memory_space<vmem>>
      %dma_wait3A_68 = arith.constant 0 : i32
      %dma_wait3A_69 = arith.constant 0 : i32
      %dma_wait3A_70 = tpu.memref_slice %arg10[%dma_wait3A_68, %dma_wait3A_69] : memref<10000x16xf32, #tpu.memory_space<vmem_shared>> -> memref<10000x16xf32, #tpu.memory_space<vmem_shared>>
      tpu.wait_indirect_dma semaphore(%arg12 : memref<!tpu.dma_semaphore, #tpu.memory_space<semaphore_mem>>) src(%dma_wait3A_70 : memref<10000x16xf32, #tpu.memory_space<vmem_shared>>) dst(%arg8 : memref<128x16xf32, #tpu.memory_space<vmem>>)
      %run_scoped3A = arith.constant 78 : i32
      "tpu.region"() ({
        %run_scoped3A_71 = tpu.sem_alloc : memref<!tpu.dma_semaphore, #tpu.memory_space<semaphore_mem>>
        %dma_start3A_72 = arith.constant 0 : i32
        %dma_start3A_73 = tpu.memref_slice %arg7[%run_scoped3A, %dma_start3A_72] : memref<79x128xi32, #tpu.memory_space<vmem>> -> memref<1x128xi32, #tpu.memory_space<vmem>>
        %dma_start3A_74 = tpu.memref_squeeze %dma_start3A_73 : memref<1x128xi32, #tpu.memory_space<vmem>> -> memref<128xi32, #tpu.memory_space<vmem>>
        %dma_start3A_75 = arith.constant 0 : i32
        %dma_start3A_76 = arith.constant 0 : i32
        %dma_start3A_77 = tpu.memref_slice %arg11[%dma_start3A_75, %dma_start3A_76] : memref<10112x16xf32, #tpu.memory_space<vmem_shared>> -> memref<10112x16xf32, #tpu.memory_space<vmem_shared>>
        tpu.enqueue_indirect_dma source(%arg8 : memref<128x16xf32, #tpu.memory_space<vmem>>) target(%dma_start3A_77 : memref<10112x16xf32, #tpu.memory_space<vmem_shared>>) offsets(%dma_start3A_74 : memref<128xi32, #tpu.memory_space<vmem>>) semaphore(%run_scoped3A_71 : memref<!tpu.dma_semaphore, #tpu.memory_space<semaphore_mem>>) {add = true}
        %dma_wait3A_78 = arith.constant 0 : i32
        %dma_wait3A_79 = tpu.memref_slice %arg7[%run_scoped3A, %dma_wait3A_78] : memref<79x128xi32, #tpu.memory_space<vmem>> -> memref<1x128xi32, #tpu.memory_space<vmem>>
        %dma_wait3A_80 = tpu.memref_squeeze %dma_wait3A_79 : memref<1x128xi32, #tpu.memory_space<vmem>> -> memref<128xi32, #tpu.memory_space<vmem>>
        %dma_wait3A_81 = arith.constant 0 : i32
        %dma_wait3A_82 = arith.constant 0 : i32
        %dma_wait3A_83 = tpu.memref_slice %arg11[%dma_wait3A_81, %dma_wait3A_82] : memref<10112x16xf32, #tpu.memory_space<vmem_shared>> -> memref<10112x16xf32, #tpu.memory_space<vmem_shared>>
        tpu.wait_indirect_dma semaphore(%run_scoped3A_71 : memref<!tpu.dma_semaphore, #tpu.memory_space<semaphore_mem>>) src(%arg8 : memref<128x16xf32, #tpu.memory_space<vmem>>) dst(%dma_wait3A_83 : memref<10112x16xf32, #tpu.memory_space<vmem_shared>>)
        tpu.yield
      }) : () -> ()
    } else {
    }
    %barrier3A_56 = arith.constant 0 : index
    tpu.barrier barrier_id(%barrier3A_56)
    "tpu.region"() ({
      %run_scoped3A = tpu.sem_alloc : memref<!tpu.dma_semaphore, #tpu.memory_space<semaphore_mem>>
      %dma_start3A_57 = arith.constant 0 : i32
      %dma_start3A_58 = tpu.memref_slice %arg5[%arg0, %mul3A_2, %dma_start3A_57] : memref<2x10112x16xf32, #tpu.memory_space<hbm>> -> memref<1x632x16xf32, #tpu.memory_space<hbm>>
      %dma_start3A_59 = tpu.memref_squeeze %dma_start3A_58 : memref<1x632x16xf32, #tpu.memory_space<hbm>> -> memref<632x16xf32, #tpu.memory_space<hbm>>
      %dma_start3A_60 = arith.constant 0 : i32
      %dma_start3A_61 = tpu.memref_slice %arg11[%mul3A_2, %dma_start3A_60] : memref<10112x16xf32, #tpu.memory_space<vmem_shared>> -> memref<632x16xf32, #tpu.memory_space<vmem_shared>>
      tpu.enqueue_dma source(%dma_start3A_61 : memref<632x16xf32, #tpu.memory_space<vmem_shared>>) target(%dma_start3A_59 : memref<632x16xf32, #tpu.memory_space<hbm>>) target_semaphore(%run_scoped3A : memref<!tpu.dma_semaphore, #tpu.memory_space<semaphore_mem>>)
      %dma_wait3A_62 = arith.constant 0 : i32
      %dma_wait3A_63 = tpu.memref_slice %arg5[%arg0, %mul3A_2, %dma_wait3A_62] : memref<2x10112x16xf32, #tpu.memory_space<hbm>> -> memref<1x632x16xf32, #tpu.memory_space<hbm>>
      %dma_wait3A_64 = tpu.memref_squeeze %dma_wait3A_63 : memref<1x632x16xf32, #tpu.memory_space<hbm>> -> memref<632x16xf32, #tpu.memory_space<hbm>>
      %dma_wait3A_65 = arith.constant 0 : i32
      %dma_wait3A_66 = tpu.memref_slice %arg11[%mul3A_2, %dma_wait3A_65] : memref<10112x16xf32, #tpu.memory_space<vmem_shared>> -> memref<632x16xf32, #tpu.memory_space<vmem_shared>>
      tpu.wait_dma2 semaphore(%run_scoped3A : memref<!tpu.dma_semaphore, #tpu.memory_space<semaphore_mem>>) src(%dma_wait3A_66 : memref<632x16xf32, #tpu.memory_space<vmem_shared>>) dst(%dma_wait3A_64 : memref<632x16xf32, #tpu.memory_space<hbm>>)
      tpu.yield
    }) : () -> ()
    return
  }
}

module attributes {stable_mosaic.version = 14 : i64} {
  func.func @body(%arg0: memref<1250x8x128xf32, #tpu.memory_space<vmem>>, %arg1: memref<128x16xf32, #tpu.memory_space<vmem>>, %arg2: memref<1250x128xf32, #tpu.memory_space<vmem>>) attributes {dimension_semantics = [], scalar_prefetch = 0 : i64, scratch_operands = 0 : i64, tpu.core_type = #tpu.core_type<tc>} {
    %get3A = arith.constant 0 : index
    %get3A_0 = arith.constant 0 : index
    %get3A_1 = vector.load %arg1[%get3A, %get3A_0] : memref<128x16xf32, #tpu.memory_space<vmem>>, vector<128x16xf32>
    %get3A_2 = arith.constant 0 : index
    %get3A_3 = arith.constant 0 : index
    %get3A_4 = arith.constant 0 : index
    %get3A_5 = vector.load %arg0[%get3A_2, %get3A_3, %get3A_4] : memref<1250x8x128xf32, #tpu.memory_space<vmem>>, vector<1250x1x128xf32>
    %get3A_6 = vector.shape_cast %get3A_5 : vector<1250x1x128xf32> to vector<1250x128xf32>
    %dot_general3A = arith.constant dense<0.000000e+00> : vector<1250x16xf32>
    %dot_general3A_7 = tpu.matmul %get3A_6, %get3A_1, %dot_general3A {dimension_numbers = #tpu.dot_dimension_numbers<[1], [0], [0], [1], [0, 0, 1, 1], [], []>, transpose_lhs_hint = false} : vector<1250x128xf32>, vector<128x16xf32>, vector<1250x16xf32> -> vector<1250x16xf32>
    %get3A_8 = arith.constant 0 : index
    %get3A_9 = arith.constant 1 : index
    %get3A_10 = arith.constant 0 : index
    %get3A_11 = vector.load %arg0[%get3A_8, %get3A_9, %get3A_10] : memref<1250x8x128xf32, #tpu.memory_space<vmem>>, vector<1250x1x128xf32>
    %get3A_12 = vector.shape_cast %get3A_11 : vector<1250x1x128xf32> to vector<1250x128xf32>
    %dot_general3A_13 = arith.constant dense<0.000000e+00> : vector<1250x16xf32>
    %dot_general3A_14 = tpu.matmul %get3A_12, %get3A_1, %dot_general3A_13 {dimension_numbers = #tpu.dot_dimension_numbers<[1], [0], [0], [1], [0, 0, 1, 1], [], []>, transpose_lhs_hint = false} : vector<1250x128xf32>, vector<128x16xf32>, vector<1250x16xf32> -> vector<1250x16xf32>
    %get3A_15 = arith.constant 0 : index
    %get3A_16 = arith.constant 2 : index
    %get3A_17 = arith.constant 0 : index
    %get3A_18 = vector.load %arg0[%get3A_15, %get3A_16, %get3A_17] : memref<1250x8x128xf32, #tpu.memory_space<vmem>>, vector<1250x1x128xf32>
    %get3A_19 = vector.shape_cast %get3A_18 : vector<1250x1x128xf32> to vector<1250x128xf32>
    %dot_general3A_20 = arith.constant dense<0.000000e+00> : vector<1250x16xf32>
    %dot_general3A_21 = tpu.matmul %get3A_19, %get3A_1, %dot_general3A_20 {dimension_numbers = #tpu.dot_dimension_numbers<[1], [0], [0], [1], [0, 0, 1, 1], [], []>, transpose_lhs_hint = false} : vector<1250x128xf32>, vector<128x16xf32>, vector<1250x16xf32> -> vector<1250x16xf32>
    %get3A_22 = arith.constant 0 : index
    %get3A_23 = arith.constant 3 : index
    %get3A_24 = arith.constant 0 : index
    %get3A_25 = vector.load %arg0[%get3A_22, %get3A_23, %get3A_24] : memref<1250x8x128xf32, #tpu.memory_space<vmem>>, vector<1250x1x128xf32>
    %get3A_26 = vector.shape_cast %get3A_25 : vector<1250x1x128xf32> to vector<1250x128xf32>
    %dot_general3A_27 = arith.constant dense<0.000000e+00> : vector<1250x16xf32>
    %dot_general3A_28 = tpu.matmul %get3A_26, %get3A_1, %dot_general3A_27 {dimension_numbers = #tpu.dot_dimension_numbers<[1], [0], [0], [1], [0, 0, 1, 1], [], []>, transpose_lhs_hint = false} : vector<1250x128xf32>, vector<128x16xf32>, vector<1250x16xf32> -> vector<1250x16xf32>
    %get3A_29 = arith.constant 0 : index
    %get3A_30 = arith.constant 4 : index
    %get3A_31 = arith.constant 0 : index
    %get3A_32 = vector.load %arg0[%get3A_29, %get3A_30, %get3A_31] : memref<1250x8x128xf32, #tpu.memory_space<vmem>>, vector<1250x1x128xf32>
    %get3A_33 = vector.shape_cast %get3A_32 : vector<1250x1x128xf32> to vector<1250x128xf32>
    %dot_general3A_34 = arith.constant dense<0.000000e+00> : vector<1250x16xf32>
    %dot_general3A_35 = tpu.matmul %get3A_33, %get3A_1, %dot_general3A_34 {dimension_numbers = #tpu.dot_dimension_numbers<[1], [0], [0], [1], [0, 0, 1, 1], [], []>, transpose_lhs_hint = false} : vector<1250x128xf32>, vector<128x16xf32>, vector<1250x16xf32> -> vector<1250x16xf32>
    %get3A_36 = arith.constant 0 : index
    %get3A_37 = arith.constant 5 : index
    %get3A_38 = arith.constant 0 : index
    %get3A_39 = vector.load %arg0[%get3A_36, %get3A_37, %get3A_38] : memref<1250x8x128xf32, #tpu.memory_space<vmem>>, vector<1250x1x128xf32>
    %get3A_40 = vector.shape_cast %get3A_39 : vector<1250x1x128xf32> to vector<1250x128xf32>
    %dot_general3A_41 = arith.constant dense<0.000000e+00> : vector<1250x16xf32>
    %dot_general3A_42 = tpu.matmul %get3A_40, %get3A_1, %dot_general3A_41 {dimension_numbers = #tpu.dot_dimension_numbers<[1], [0], [0], [1], [0, 0, 1, 1], [], []>, transpose_lhs_hint = false} : vector<1250x128xf32>, vector<128x16xf32>, vector<1250x16xf32> -> vector<1250x16xf32>
    %get3A_43 = arith.constant 0 : index
    %get3A_44 = arith.constant 6 : index
    %get3A_45 = arith.constant 0 : index
    %get3A_46 = vector.load %arg0[%get3A_43, %get3A_44, %get3A_45] : memref<1250x8x128xf32, #tpu.memory_space<vmem>>, vector<1250x1x128xf32>
    %get3A_47 = vector.shape_cast %get3A_46 : vector<1250x1x128xf32> to vector<1250x128xf32>
    %dot_general3A_48 = arith.constant dense<0.000000e+00> : vector<1250x16xf32>
    %dot_general3A_49 = tpu.matmul %get3A_47, %get3A_1, %dot_general3A_48 {dimension_numbers = #tpu.dot_dimension_numbers<[1], [0], [0], [1], [0, 0, 1, 1], [], []>, transpose_lhs_hint = false} : vector<1250x128xf32>, vector<128x16xf32>, vector<1250x16xf32> -> vector<1250x16xf32>
    %get3A_50 = arith.constant 0 : index
    %get3A_51 = arith.constant 7 : index
    %get3A_52 = arith.constant 0 : index
    %get3A_53 = vector.load %arg0[%get3A_50, %get3A_51, %get3A_52] : memref<1250x8x128xf32, #tpu.memory_space<vmem>>, vector<1250x1x128xf32>
    %get3A_54 = vector.shape_cast %get3A_53 : vector<1250x1x128xf32> to vector<1250x128xf32>
    %dot_general3A_55 = arith.constant dense<0.000000e+00> : vector<1250x16xf32>
    %dot_general3A_56 = tpu.matmul %get3A_54, %get3A_1, %dot_general3A_55 {dimension_numbers = #tpu.dot_dimension_numbers<[1], [0], [0], [1], [0, 0, 1, 1], [], []>, transpose_lhs_hint = false} : vector<1250x128xf32>, vector<128x16xf32>, vector<1250x16xf32> -> vector<1250x16xf32>
    %concatenate3A = tpu.concatenate %dot_general3A_7, %dot_general3A_14, %dot_general3A_21, %dot_general3A_28, %dot_general3A_35, %dot_general3A_42, %dot_general3A_49, %dot_general3A_56 in 1 : vector<1250x16xf32>, vector<1250x16xf32>, vector<1250x16xf32>, vector<1250x16xf32>, vector<1250x16xf32>, vector<1250x16xf32>, vector<1250x16xf32>, vector<1250x16xf32> -> vector<1250x128xf32>
    %swap3A = arith.constant 0 : index
    %swap3A_57 = arith.constant 0 : index
    %swap3A_58 = vector.load %arg2[%swap3A, %swap3A_57] : memref<1250x128xf32, #tpu.memory_space<vmem>>, vector<1250x128xf32>
    tpu.vector_store %arg2[%swap3A, %swap3A_57], %concatenate3A {strides = array<i32>} : memref<1250x128xf32, #tpu.memory_space<vmem>>, vector<1250x128xf32>,
    return
  }
}

module attributes {stable_mosaic.version = 14 : i64} {
  func.func @body(%arg0: memref<2x1264x128xf32, #tpu.memory_space<vmem>>, %arg1: memref<1250x128xf32, #tpu.memory_space<vmem>>, %arg2: memref<1250x128xf32, #tpu.memory_space<vmem>>, %arg3: memref<1250x128xf32, #tpu.memory_space<vmem>>) attributes {dimension_semantics = [], scalar_prefetch = 0 : i64, scratch_operands = 0 : i64, tpu.core_type = #tpu.core_type<tc>} {
    %get3A = arith.constant 0 : index
    %get3A_0 = arith.constant 0 : index
    %get3A_1 = arith.constant 0 : index
    %get3A_2 = vector.load %arg0[%get3A, %get3A_0, %get3A_1] : memref<2x1264x128xf32, #tpu.memory_space<vmem>>, vector<1x1250x128xf32>
    %get3A_3 = vector.shape_cast %get3A_2 : vector<1x1250x128xf32> to vector<1250x128xf32>
    %get3A_4 = arith.constant 1 : index
    %get3A_5 = arith.constant 0 : index
    %get3A_6 = arith.constant 0 : index
    %get3A_7 = vector.load %arg0[%get3A_4, %get3A_5, %get3A_6] : memref<2x1264x128xf32, #tpu.memory_space<vmem>>, vector<1x1250x128xf32>
    %get3A_8 = vector.shape_cast %get3A_7 : vector<1x1250x128xf32> to vector<1250x128xf32>
    %add3A = arith.addf %get3A_3, %get3A_8 : vector<1250x128xf32>
    %add3A_9 = arith.constant 1.000000e+00 : f32
    %add3A_10 = vector.broadcast %add3A_9 : f32 to vector<1250x128xf32>
    %add3A_11 = arith.addf %add3A, %add3A_10 : vector<1250x128xf32>
    %rsqrt3A = math.rsqrt %add3A_11 : vector<1250x128xf32>
    %swap3A = arith.constant 0 : index
    %swap3A_12 = arith.constant 0 : index
    %swap3A_13 = vector.load %arg2[%swap3A, %swap3A_12] : memref<1250x128xf32, #tpu.memory_space<vmem>>, vector<1250x128xf32>
    tpu.vector_store %arg2[%swap3A, %swap3A_12], %rsqrt3A {strides = array<i32>} : memref<1250x128xf32, #tpu.memory_space<vmem>>, vector<1250x128xf32>,
    %get3A_14 = arith.constant 0 : index
    %get3A_15 = arith.constant 0 : index
    %get3A_16 = vector.load %arg1[%get3A_14, %get3A_15] : memref<1250x128xf32, #tpu.memory_space<vmem>>, vector<1250x128xf32>
    %mul3A = arith.mulf %get3A_16, %rsqrt3A : vector<1250x128xf32>
    %swap3A_17 = arith.constant 0 : index
    %swap3A_18 = arith.constant 0 : index
    %swap3A_19 = vector.load %arg3[%swap3A_17, %swap3A_18] : memref<1250x128xf32, #tpu.memory_space<vmem>>, vector<1250x128xf32>
    tpu.vector_store %arg3[%swap3A_17, %swap3A_18], %mul3A {strides = array<i32>} : memref<1250x128xf32, #tpu.memory_space<vmem>>, vector<1250x128xf32>,
    return
  }
}

module attributes {stable_mosaic.version = 14 : i64} {
  func.func @body(%arg0: memref<2x1264x128xf32, #tpu.memory_space<vmem>>, %arg1: memref<1250x128xf32, #tpu.memory_space<vmem>>, %arg2: memref<1250x128xf32, #tpu.memory_space<vmem>>, %arg3: memref<1x128xf32, #tpu.memory_space<vmem>>, %arg4: memref<1250x128xf32, #tpu.memory_space<vmem>>, %arg5: memref<1250x128xf32, #tpu.memory_space<vmem>>) attributes {dimension_semantics = [], scalar_prefetch = 0 : i64, scratch_operands = 0 : i64, tpu.core_type = #tpu.core_type<tc>} {
    %get3A = arith.constant 0 : index
    %get3A_0 = arith.constant 0 : index
    %get3A_1 = vector.load %arg2[%get3A, %get3A_0] : memref<1250x128xf32, #tpu.memory_space<vmem>>, vector<1250x128xf32>
    %get3A_2 = arith.constant 0 : index
    %get3A_3 = arith.constant 0 : index
    %get3A_4 = arith.constant 0 : index
    %get3A_5 = vector.load %arg0[%get3A_2, %get3A_3, %get3A_4] : memref<2x1264x128xf32, #tpu.memory_space<vmem>>, vector<1x1250x128xf32>
    %get3A_6 = vector.shape_cast %get3A_5 : vector<1x1250x128xf32> to vector<1250x128xf32>
    %get3A_7 = arith.constant 1 : index
    %get3A_8 = arith.constant 0 : index
    %get3A_9 = arith.constant 0 : index
    %get3A_10 = vector.load %arg0[%get3A_7, %get3A_8, %get3A_9] : memref<2x1264x128xf32, #tpu.memory_space<vmem>>, vector<1x1250x128xf32>
    %get3A_11 = vector.shape_cast %get3A_10 : vector<1x1250x128xf32> to vector<1250x128xf32>
    %add3A = arith.addf %get3A_6, %get3A_11 : vector<1250x128xf32>
    %mul3A = arith.mulf %get3A_1, %add3A : vector<1250x128xf32>
    %mul3A_12 = arith.mulf %get3A_1, %get3A_1 : vector<1250x128xf32>
    %get3A_13 = arith.constant 0 : index
    %get3A_14 = arith.constant 0 : index
    %get3A_15 = vector.load %arg1[%get3A_13, %get3A_14] : memref<1250x128xf32, #tpu.memory_space<vmem>>, vector<1250x128xf32>
    %mul3A_16 = arith.mulf %mul3A_12, %get3A_15 : vector<1250x128xf32>
    %add3A_17 = arith.addf %mul3A, %mul3A_16 : vector<1250x128xf32>
    %get3A_18 = arith.constant 0 : index
    %get3A_19 = arith.constant 0 : index
    %get3A_20 = vector.load %arg3[%get3A_18, %get3A_19] : memref<1x128xf32, #tpu.memory_space<vmem>>, vector<1x128xf32>
    %add3A_21 = vector.broadcast %get3A_20 : vector<1x128xf32> to vector<1250x128xf32>
    %add3A_22 = arith.addf %add3A_17, %add3A_21 : vector<1250x128xf32>
    %max3A = arith.constant 0.000000e+00 : f32
    %max3A_23 = vector.broadcast %max3A : f32 to vector<1250x128xf32>
    %max3A_24 = arith.maximumf %add3A_22, %max3A_23 : vector<1250x128xf32>
    %mul3A_25 = arith.mulf %max3A_24, %get3A_1 : vector<1250x128xf32>
    %swap3A = arith.constant 0 : index
    %swap3A_26 = arith.constant 0 : index
    %swap3A_27 = vector.load %arg4[%swap3A, %swap3A_26] : memref<1250x128xf32, #tpu.memory_space<vmem>>, vector<1250x128xf32>
    tpu.vector_store %arg4[%swap3A, %swap3A_26], %mul3A_25 {strides = array<i32>} : memref<1250x128xf32, #tpu.memory_space<vmem>>, vector<1250x128xf32>,
    %mul3A_28 = arith.mulf %get3A_1, %get3A_1 : vector<1250x128xf32>
    %mul3A_29 = arith.mulf %max3A_24, %mul3A_28 : vector<1250x128xf32>
    %swap3A_30 = arith.constant 0 : index
    %swap3A_31 = arith.constant 0 : index
    %swap3A_32 = vector.load %arg5[%swap3A_30, %swap3A_31] : memref<1250x128xf32, #tpu.memory_space<vmem>>, vector<1250x128xf32>
    tpu.vector_store %arg5[%swap3A_30, %swap3A_31], %mul3A_29 {strides = array<i32>} : memref<1250x128xf32, #tpu.memory_space<vmem>>, vector<1250x128xf32>,
    return
  }
}

module attributes {stable_mosaic.version = 14 : i64} {
  func.func @body(%arg0: memref<2x1264x128xf32, #tpu.memory_space<vmem>>, %arg1: memref<1250x128xf32, #tpu.memory_space<vmem>>, %arg2: memref<1250x128xf32, #tpu.memory_space<vmem>>, %arg3: memref<16x64xf32, #tpu.memory_space<vmem>>, %arg4: memref<1x64xf32, #tpu.memory_space<vmem>>, %arg5: memref<1250x64xf32, #tpu.memory_space<vmem>>, %arg6: memref<1250x64xf32, #tpu.memory_space<vmem>>, %arg7: memref<1250x64xf32, #tpu.memory_space<vmem>>, %arg8: memref<1250x64xf32, #tpu.memory_space<vmem>>, %arg9: memref<1250x64xf32, #tpu.memory_space<vmem>>, %arg10: memref<1250x64xf32, #tpu.memory_space<vmem>>, %arg11: memref<1250x64xf32, #tpu.memory_space<vmem>>, %arg12: memref<1250x64xf32, #tpu.memory_space<vmem>>) attributes {dimension_semantics = [], scalar_prefetch = 0 : i64, scratch_operands = 0 : i64, tpu.core_type = #tpu.core_type<tc>} {
    %get3A = arith.constant 0 : index
    %get3A_0 = arith.constant 0 : index
    %get3A_1 = vector.load %arg2[%get3A, %get3A_0] : memref<1250x128xf32, #tpu.memory_space<vmem>>, vector<1250x128xf32>
    %get3A_2 = arith.constant 0 : index
    %get3A_3 = arith.constant 0 : index
    %get3A_4 = arith.constant 0 : index
    %get3A_5 = vector.load %arg0[%get3A_2, %get3A_3, %get3A_4] : memref<2x1264x128xf32, #tpu.memory_space<vmem>>, vector<1x1250x128xf32>
    %get3A_6 = vector.shape_cast %get3A_5 : vector<1x1250x128xf32> to vector<1250x128xf32>
    %get3A_7 = arith.constant 1 : index
    %get3A_8 = arith.constant 0 : index
    %get3A_9 = arith.constant 0 : index
    %get3A_10 = vector.load %arg0[%get3A_7, %get3A_8, %get3A_9] : memref<2x1264x128xf32, #tpu.memory_space<vmem>>, vector<1x1250x128xf32>
    %get3A_11 = vector.shape_cast %get3A_10 : vector<1x1250x128xf32> to vector<1250x128xf32>
    %add3A = arith.addf %get3A_6, %get3A_11 : vector<1250x128xf32>
    %mul3A = arith.mulf %get3A_1, %add3A : vector<1250x128xf32>
    %get3A_12 = arith.constant 0 : index
    %get3A_13 = arith.constant 0 : index
    %get3A_14 = vector.load %arg1[%get3A_12, %get3A_13] : memref<1250x128xf32, #tpu.memory_space<vmem>>, vector<1250x128xf32>
    %add3A_15 = arith.addf %mul3A, %get3A_14 : vector<1250x128xf32>
    %get3A_16 = arith.constant 0 : index
    %get3A_17 = arith.constant 0 : index
    %get3A_18 = vector.load %arg3[%get3A_16, %get3A_17] : memref<16x64xf32, #tpu.memory_space<vmem>>, vector<16x64xf32>
    %get3A_19 = arith.constant 0 : index
    %get3A_20 = arith.constant 0 : index
    %get3A_21 = vector.load %arg4[%get3A_19, %get3A_20] : memref<1x64xf32, #tpu.memory_space<vmem>>, vector<1x64xf32>
    %slice3A = vector.extract_strided_slice %add3A_15 {offsets = [0, 0], sizes = [1250, 16], strides = [1, 1]} : vector<1250x128xf32> to vector<1250x16xf32>
    %dot_general3A = arith.constant dense<0.000000e+00> : vector<1250x64xf32>
    %dot_general3A_22 = tpu.matmul %slice3A, %get3A_18, %dot_general3A {dimension_numbers = #tpu.dot_dimension_numbers<[1], [0], [0], [1], [0, 0, 1, 1], [], []>, transpose_lhs_hint = false} : vector<1250x16xf32>, vector<16x64xf32>, vector<1250x64xf32> -> vector<1250x64xf32>
    %add3A_23 = vector.broadcast %get3A_21 : vector<1x64xf32> to vector<1250x64xf32>
    %add3A_24 = arith.addf %dot_general3A_22, %add3A_23 : vector<1250x64xf32>
    %reduce_max3A = arith.constant dense<0xFF800000> : vector<1250xf32>
    %reduce_max3A_25 = vector.multi_reduction <maximumf>, %add3A_24, %reduce_max3A [1] : vector<1250x64xf32> to vector<1250xf32>
    %broadcast_in_dim3A = vector.shape_cast %reduce_max3A_25 : vector<1250xf32> to vector<1250x1xf32>
    %sub3A = vector.broadcast %broadcast_in_dim3A : vector<1250x1xf32> to vector<1250x64xf32>
    %sub3A_26 = arith.subf %add3A_24, %sub3A : vector<1250x64xf32>
    %exp3A = math.exp %sub3A_26 : vector<1250x64xf32>
    %reduce_sum3A = arith.constant dense<0.000000e+00> : vector<1250xf32>
    %reduce_sum3A_27 = vector.multi_reduction <add>, %exp3A, %reduce_sum3A [1] : vector<1250x64xf32> to vector<1250xf32>
    %broadcast_in_dim3A_28 = vector.shape_cast %reduce_sum3A_27 : vector<1250xf32> to vector<1250x1xf32>
    %log3A = math.log %broadcast_in_dim3A_28 : vector<1250x1xf32>
    %sub3A_29 = vector.broadcast %log3A : vector<1250x1xf32> to vector<1250x64xf32>
    %sub3A_30 = arith.subf %sub3A_26, %sub3A_29 : vector<1250x64xf32>
    %swap3A = arith.constant 0 : index
    %swap3A_31 = arith.constant 0 : index
    %swap3A_32 = vector.load %arg5[%swap3A, %swap3A_31] : memref<1250x64xf32, #tpu.memory_space<vmem>>, vector<1250x64xf32>
    tpu.vector_store %arg5[%swap3A, %swap3A_31], %sub3A_30 {strides = array<i32>} : memref<1250x64xf32, #tpu.memory_space<vmem>>, vector<1250x64xf32>,
    %slice3A_33 = vector.extract_strided_slice %add3A_15 {offsets = [0, 16], sizes = [1250, 16], strides = [1, 1]} : vector<1250x128xf32> to vector<1250x16xf32>
    %dot_general3A_34 = arith.constant dense<0.000000e+00> : vector<1250x64xf32>
    %dot_general3A_35 = tpu.matmul %slice3A_33, %get3A_18, %dot_general3A_34 {dimension_numbers = #tpu.dot_dimension_numbers<[1], [0], [0], [1], [0, 0, 1, 1], [], []>, transpose_lhs_hint = false} : vector<1250x16xf32>, vector<16x64xf32>, vector<1250x64xf32> -> vector<1250x64xf32>
    %add3A_36 = vector.broadcast %get3A_21 : vector<1x64xf32> to vector<1250x64xf32>
    %add3A_37 = arith.addf %dot_general3A_35, %add3A_36 : vector<1250x64xf32>
    %reduce_max3A_38 = arith.constant dense<0xFF800000> : vector<1250xf32>
    %reduce_max3A_39 = vector.multi_reduction <maximumf>, %add3A_37, %reduce_max3A_38 [1] : vector<1250x64xf32> to vector<1250xf32>
    %broadcast_in_dim3A_40 = vector.shape_cast %reduce_max3A_39 : vector<1250xf32> to vector<1250x1xf32>
    %sub3A_41 = vector.broadcast %broadcast_in_dim3A_40 : vector<1250x1xf32> to vector<1250x64xf32>
    %sub3A_42 = arith.subf %add3A_37, %sub3A_41 : vector<1250x64xf32>
    %exp3A_43 = math.exp %sub3A_42 : vector<1250x64xf32>
    %reduce_sum3A_44 = arith.constant dense<0.000000e+00> : vector<1250xf32>
    %reduce_sum3A_45 = vector.multi_reduction <add>, %exp3A_43, %reduce_sum3A_44 [1] : vector<1250x64xf32> to vector<1250xf32>
    %broadcast_in_dim3A_46 = vector.shape_cast %reduce_sum3A_45 : vector<1250xf32> to vector<1250x1xf32>
    %log3A_47 = math.log %broadcast_in_dim3A_46 : vector<1250x1xf32>
    %sub3A_48 = vector.broadcast %log3A_47 : vector<1250x1xf32> to vector<1250x64xf32>
    %sub3A_49 = arith.subf %sub3A_42, %sub3A_48 : vector<1250x64xf32>
    %swap3A_50 = arith.constant 0 : index
    %swap3A_51 = arith.constant 0 : index
    %swap3A_52 = vector.load %arg6[%swap3A_50, %swap3A_51] : memref<1250x64xf32, #tpu.memory_space<vmem>>, vector<1250x64xf32>
    tpu.vector_store %arg6[%swap3A_50, %swap3A_51], %sub3A_49 {strides = array<i32>} : memref<1250x64xf32, #tpu.memory_space<vmem>>, vector<1250x64xf32>,
    %slice3A_53 = vector.extract_strided_slice %add3A_15 {offsets = [0, 32], sizes = [1250, 16], strides = [1, 1]} : vector<1250x128xf32> to vector<1250x16xf32>
    %dot_general3A_54 = arith.constant dense<0.000000e+00> : vector<1250x64xf32>
    %dot_general3A_55 = tpu.matmul %slice3A_53, %get3A_18, %dot_general3A_54 {dimension_numbers = #tpu.dot_dimension_numbers<[1], [0], [0], [1], [0, 0, 1, 1], [], []>, transpose_lhs_hint = false} : vector<1250x16xf32>, vector<16x64xf32>, vector<1250x64xf32> -> vector<1250x64xf32>
    %add3A_56 = vector.broadcast %get3A_21 : vector<1x64xf32> to vector<1250x64xf32>
    %add3A_57 = arith.addf %dot_general3A_55, %add3A_56 : vector<1250x64xf32>
    %reduce_max3A_58 = arith.constant dense<0xFF800000> : vector<1250xf32>
    %reduce_max3A_59 = vector.multi_reduction <maximumf>, %add3A_57, %reduce_max3A_58 [1] : vector<1250x64xf32> to vector<1250xf32>
    %broadcast_in_dim3A_60 = vector.shape_cast %reduce_max3A_59 : vector<1250xf32> to vector<1250x1xf32>
    %sub3A_61 = vector.broadcast %broadcast_in_dim3A_60 : vector<1250x1xf32> to vector<1250x64xf32>
    %sub3A_62 = arith.subf %add3A_57, %sub3A_61 : vector<1250x64xf32>
    %exp3A_63 = math.exp %sub3A_62 : vector<1250x64xf32>
    %reduce_sum3A_64 = arith.constant dense<0.000000e+00> : vector<1250xf32>
    %reduce_sum3A_65 = vector.multi_reduction <add>, %exp3A_63, %reduce_sum3A_64 [1] : vector<1250x64xf32> to vector<1250xf32>
    %broadcast_in_dim3A_66 = vector.shape_cast %reduce_sum3A_65 : vector<1250xf32> to vector<1250x1xf32>
    %log3A_67 = math.log %broadcast_in_dim3A_66 : vector<1250x1xf32>
    %sub3A_68 = vector.broadcast %log3A_67 : vector<1250x1xf32> to vector<1250x64xf32>
    %sub3A_69 = arith.subf %sub3A_62, %sub3A_68 : vector<1250x64xf32>
    %swap3A_70 = arith.constant 0 : index
    %swap3A_71 = arith.constant 0 : index
    %swap3A_72 = vector.load %arg7[%swap3A_70, %swap3A_71] : memref<1250x64xf32, #tpu.memory_space<vmem>>, vector<1250x64xf32>
    tpu.vector_store %arg7[%swap3A_70, %swap3A_71], %sub3A_69 {strides = array<i32>} : memref<1250x64xf32, #tpu.memory_space<vmem>>, vector<1250x64xf32>,
    %slice3A_73 = vector.extract_strided_slice %add3A_15 {offsets = [0, 48], sizes = [1250, 16], strides = [1, 1]} : vector<1250x128xf32> to vector<1250x16xf32>
    %dot_general3A_74 = arith.constant dense<0.000000e+00> : vector<1250x64xf32>
    %dot_general3A_75 = tpu.matmul %slice3A_73, %get3A_18, %dot_general3A_74 {dimension_numbers = #tpu.dot_dimension_numbers<[1], [0], [0], [1], [0, 0, 1, 1], [], []>, transpose_lhs_hint = false} : vector<1250x16xf32>, vector<16x64xf32>, vector<1250x64xf32> -> vector<1250x64xf32>
    %add3A_76 = vector.broadcast %get3A_21 : vector<1x64xf32> to vector<1250x64xf32>
    %add3A_77 = arith.addf %dot_general3A_75, %add3A_76 : vector<1250x64xf32>
    %reduce_max3A_78 = arith.constant dense<0xFF800000> : vector<1250xf32>
    %reduce_max3A_79 = vector.multi_reduction <maximumf>, %add3A_77, %reduce_max3A_78 [1] : vector<1250x64xf32> to vector<1250xf32>
    %broadcast_in_dim3A_80 = vector.shape_cast %reduce_max3A_79 : vector<1250xf32> to vector<1250x1xf32>
    %sub3A_81 = vector.broadcast %broadcast_in_dim3A_80 : vector<1250x1xf32> to vector<1250x64xf32>
    %sub3A_82 = arith.subf %add3A_77, %sub3A_81 : vector<1250x64xf32>
    %exp3A_83 = math.exp %sub3A_82 : vector<1250x64xf32>
    %reduce_sum3A_84 = arith.constant dense<0.000000e+00> : vector<1250xf32>
    %reduce_sum3A_85 = vector.multi_reduction <add>, %exp3A_83, %reduce_sum3A_84 [1] : vector<1250x64xf32> to vector<1250xf32>
    %broadcast_in_dim3A_86 = vector.shape_cast %reduce_sum3A_85 : vector<1250xf32> to vector<1250x1xf32>
    %log3A_87 = math.log %broadcast_in_dim3A_86 : vector<1250x1xf32>
    %sub3A_88 = vector.broadcast %log3A_87 : vector<1250x1xf32> to vector<1250x64xf32>
    %sub3A_89 = arith.subf %sub3A_82, %sub3A_88 : vector<1250x64xf32>
    %swap3A_90 = arith.constant 0 : index
    %swap3A_91 = arith.constant 0 : index
    %swap3A_92 = vector.load %arg8[%swap3A_90, %swap3A_91] : memref<1250x64xf32, #tpu.memory_space<vmem>>, vector<1250x64xf32>
    tpu.vector_store %arg8[%swap3A_90, %swap3A_91], %sub3A_89 {strides = array<i32>} : memref<1250x64xf32, #tpu.memory_space<vmem>>, vector<1250x64xf32>,
    %slice3A_93 = vector.extract_strided_slice %add3A_15 {offsets = [0, 64], sizes = [1250, 16], strides = [1, 1]} : vector<1250x128xf32> to vector<1250x16xf32>
    %dot_general3A_94 = arith.constant dense<0.000000e+00> : vector<1250x64xf32>
    %dot_general3A_95 = tpu.matmul %slice3A_93, %get3A_18, %dot_general3A_94 {dimension_numbers = #tpu.dot_dimension_numbers<[1], [0], [0], [1], [0, 0, 1, 1], [], []>, transpose_lhs_hint = false} : vector<1250x16xf32>, vector<16x64xf32>, vector<1250x64xf32> -> vector<1250x64xf32>
    %add3A_96 = vector.broadcast %get3A_21 : vector<1x64xf32> to vector<1250x64xf32>
    %add3A_97 = arith.addf %dot_general3A_95, %add3A_96 : vector<1250x64xf32>
    %reduce_max3A_98 = arith.constant dense<0xFF800000> : vector<1250xf32>
    %reduce_max3A_99 = vector.multi_reduction <maximumf>, %add3A_97, %reduce_max3A_98 [1] : vector<1250x64xf32> to vector<1250xf32>
    %broadcast_in_dim3A_100 = vector.shape_cast %reduce_max3A_99 : vector<1250xf32> to vector<1250x1xf32>
    %sub3A_101 = vector.broadcast %broadcast_in_dim3A_100 : vector<1250x1xf32> to vector<1250x64xf32>
    %sub3A_102 = arith.subf %add3A_97, %sub3A_101 : vector<1250x64xf32>
    %exp3A_103 = math.exp %sub3A_102 : vector<1250x64xf32>
    %reduce_sum3A_104 = arith.constant dense<0.000000e+00> : vector<1250xf32>
    %reduce_sum3A_105 = vector.multi_reduction <add>, %exp3A_103, %reduce_sum3A_104 [1] : vector<1250x64xf32> to vector<1250xf32>
    %broadcast_in_dim3A_106 = vector.shape_cast %reduce_sum3A_105 : vector<1250xf32> to vector<1250x1xf32>
    %log3A_107 = math.log %broadcast_in_dim3A_106 : vector<1250x1xf32>
    %sub3A_108 = vector.broadcast %log3A_107 : vector<1250x1xf32> to vector<1250x64xf32>
    %sub3A_109 = arith.subf %sub3A_102, %sub3A_108 : vector<1250x64xf32>
    %swap3A_110 = arith.constant 0 : index
    %swap3A_111 = arith.constant 0 : index
    %swap3A_112 = vector.load %arg9[%swap3A_110, %swap3A_111] : memref<1250x64xf32, #tpu.memory_space<vmem>>, vector<1250x64xf32>
    tpu.vector_store %arg9[%swap3A_110, %swap3A_111], %sub3A_109 {strides = array<i32>} : memref<1250x64xf32, #tpu.memory_space<vmem>>, vector<1250x64xf32>,
    %slice3A_113 = vector.extract_strided_slice %add3A_15 {offsets = [0, 80], sizes = [1250, 16], strides = [1, 1]} : vector<1250x128xf32> to vector<1250x16xf32>
    %dot_general3A_114 = arith.constant dense<0.000000e+00> : vector<1250x64xf32>
    %dot_general3A_115 = tpu.matmul %slice3A_113, %get3A_18, %dot_general3A_114 {dimension_numbers = #tpu.dot_dimension_numbers<[1], [0], [0], [1], [0, 0, 1, 1], [], []>, transpose_lhs_hint = false} : vector<1250x16xf32>, vector<16x64xf32>, vector<1250x64xf32> -> vector<1250x64xf32>
    %add3A_116 = vector.broadcast %get3A_21 : vector<1x64xf32> to vector<1250x64xf32>
    %add3A_117 = arith.addf %dot_general3A_115, %add3A_116 : vector<1250x64xf32>
    %reduce_max3A_118 = arith.constant dense<0xFF800000> : vector<1250xf32>
    %reduce_max3A_119 = vector.multi_reduction <maximumf>, %add3A_117, %reduce_max3A_118 [1] : vector<1250x64xf32> to vector<1250xf32>
    %broadcast_in_dim3A_120 = vector.shape_cast %reduce_max3A_119 : vector<1250xf32> to vector<1250x1xf32>
    %sub3A_121 = vector.broadcast %broadcast_in_dim3A_120 : vector<1250x1xf32> to vector<1250x64xf32>
    %sub3A_122 = arith.subf %add3A_117, %sub3A_121 : vector<1250x64xf32>
    %exp3A_123 = math.exp %sub3A_122 : vector<1250x64xf32>
    %reduce_sum3A_124 = arith.constant dense<0.000000e+00> : vector<1250xf32>
    %reduce_sum3A_125 = vector.multi_reduction <add>, %exp3A_123, %reduce_sum3A_124 [1] : vector<1250x64xf32> to vector<1250xf32>
    %broadcast_in_dim3A_126 = vector.shape_cast %reduce_sum3A_125 : vector<1250xf32> to vector<1250x1xf32>
    %log3A_127 = math.log %broadcast_in_dim3A_126 : vector<1250x1xf32>
    %sub3A_128 = vector.broadcast %log3A_127 : vector<1250x1xf32> to vector<1250x64xf32>
    %sub3A_129 = arith.subf %sub3A_122, %sub3A_128 : vector<1250x64xf32>
    %swap3A_130 = arith.constant 0 : index
    %swap3A_131 = arith.constant 0 : index
    %swap3A_132 = vector.load %arg10[%swap3A_130, %swap3A_131] : memref<1250x64xf32, #tpu.memory_space<vmem>>, vector<1250x64xf32>
    tpu.vector_store %arg10[%swap3A_130, %swap3A_131], %sub3A_129 {strides = array<i32>} : memref<1250x64xf32, #tpu.memory_space<vmem>>, vector<1250x64xf32>,
    %slice3A_133 = vector.extract_strided_slice %add3A_15 {offsets = [0, 96], sizes = [1250, 16], strides = [1, 1]} : vector<1250x128xf32> to vector<1250x16xf32>
    %dot_general3A_134 = arith.constant dense<0.000000e+00> : vector<1250x64xf32>
    %dot_general3A_135 = tpu.matmul %slice3A_133, %get3A_18, %dot_general3A_134 {dimension_numbers = #tpu.dot_dimension_numbers<[1], [0], [0], [1], [0, 0, 1, 1], [], []>, transpose_lhs_hint = false} : vector<1250x16xf32>, vector<16x64xf32>, vector<1250x64xf32> -> vector<1250x64xf32>
    %add3A_136 = vector.broadcast %get3A_21 : vector<1x64xf32> to vector<1250x64xf32>
    %add3A_137 = arith.addf %dot_general3A_135, %add3A_136 : vector<1250x64xf32>
    %reduce_max3A_138 = arith.constant dense<0xFF800000> : vector<1250xf32>
    %reduce_max3A_139 = vector.multi_reduction <maximumf>, %add3A_137, %reduce_max3A_138 [1] : vector<1250x64xf32> to vector<1250xf32>
    %broadcast_in_dim3A_140 = vector.shape_cast %reduce_max3A_139 : vector<1250xf32> to vector<1250x1xf32>
    %sub3A_141 = vector.broadcast %broadcast_in_dim3A_140 : vector<1250x1xf32> to vector<1250x64xf32>
    %sub3A_142 = arith.subf %add3A_137, %sub3A_141 : vector<1250x64xf32>
    %exp3A_143 = math.exp %sub3A_142 : vector<1250x64xf32>
    %reduce_sum3A_144 = arith.constant dense<0.000000e+00> : vector<1250xf32>
    %reduce_sum3A_145 = vector.multi_reduction <add>, %exp3A_143, %reduce_sum3A_144 [1] : vector<1250x64xf32> to vector<1250xf32>
    %broadcast_in_dim3A_146 = vector.shape_cast %reduce_sum3A_145 : vector<1250xf32> to vector<1250x1xf32>
    %log3A_147 = math.log %broadcast_in_dim3A_146 : vector<1250x1xf32>
    %sub3A_148 = vector.broadcast %log3A_147 : vector<1250x1xf32> to vector<1250x64xf32>
    %sub3A_149 = arith.subf %sub3A_142, %sub3A_148 : vector<1250x64xf32>
    %swap3A_150 = arith.constant 0 : index
    %swap3A_151 = arith.constant 0 : index
    %swap3A_152 = vector.load %arg11[%swap3A_150, %swap3A_151] : memref<1250x64xf32, #tpu.memory_space<vmem>>, vector<1250x64xf32>
    tpu.vector_store %arg11[%swap3A_150, %swap3A_151], %sub3A_149 {strides = array<i32>} : memref<1250x64xf32, #tpu.memory_space<vmem>>, vector<1250x64xf32>,
    %slice3A_153 = vector.extract_strided_slice %add3A_15 {offsets = [0, 112], sizes = [1250, 16], strides = [1, 1]} : vector<1250x128xf32> to vector<1250x16xf32>
    %dot_general3A_154 = arith.constant dense<0.000000e+00> : vector<1250x64xf32>
    %dot_general3A_155 = tpu.matmul %slice3A_153, %get3A_18, %dot_general3A_154 {dimension_numbers = #tpu.dot_dimension_numbers<[1], [0], [0], [1], [0, 0, 1, 1], [], []>, transpose_lhs_hint = false} : vector<1250x16xf32>, vector<16x64xf32>, vector<1250x64xf32> -> vector<1250x64xf32>
    %add3A_156 = vector.broadcast %get3A_21 : vector<1x64xf32> to vector<1250x64xf32>
    %add3A_157 = arith.addf %dot_general3A_155, %add3A_156 : vector<1250x64xf32>
    %reduce_max3A_158 = arith.constant dense<0xFF800000> : vector<1250xf32>
    %reduce_max3A_159 = vector.multi_reduction <maximumf>, %add3A_157, %reduce_max3A_158 [1] : vector<1250x64xf32> to vector<1250xf32>
    %broadcast_in_dim3A_160 = vector.shape_cast %reduce_max3A_159 : vector<1250xf32> to vector<1250x1xf32>
    %sub3A_161 = vector.broadcast %broadcast_in_dim3A_160 : vector<1250x1xf32> to vector<1250x64xf32>
    %sub3A_162 = arith.subf %add3A_157, %sub3A_161 : vector<1250x64xf32>
    %exp3A_163 = math.exp %sub3A_162 : vector<1250x64xf32>
    %reduce_sum3A_164 = arith.constant dense<0.000000e+00> : vector<1250xf32>
    %reduce_sum3A_165 = vector.multi_reduction <add>, %exp3A_163, %reduce_sum3A_164 [1] : vector<1250x64xf32> to vector<1250xf32>
    %broadcast_in_dim3A_166 = vector.shape_cast %reduce_sum3A_165 : vector<1250xf32> to vector<1250x1xf32>
    %log3A_167 = math.log %broadcast_in_dim3A_166 : vector<1250x1xf32>
    %sub3A_168 = vector.broadcast %log3A_167 : vector<1250x1xf32> to vector<1250x64xf32>
    %sub3A_169 = arith.subf %sub3A_162, %sub3A_168 : vector<1250x64xf32>
    %swap3A_170 = arith.constant 0 : index
    %swap3A_171 = arith.constant 0 : index
    %swap3A_172 = vector.load %arg12[%swap3A_170, %swap3A_171] : memref<1250x64xf32, #tpu.memory_space<vmem>>, vector<1250x64xf32>
    tpu.vector_store %arg12[%swap3A_170, %swap3A_171], %sub3A_169 {strides = array<i32>} : memref<1250x64xf32, #tpu.memory_space<vmem>>, vector<1250x64xf32>,
    return
  }
}

</mosaic_0001>

<sc_bundles>
// kernel: kernel.12.cloned.1.call-start
scs
__scs_entry_jumppad:
0x0: {  	(pc) =	sbr.rel $0x88, $3  }
0x1: {  	(tag) =	ssettag $0x0;
	lr =	simm.s32 $0x1  }
0x2: {  	[smem:$0x3F9B] =	sst lr;
	_ =	strace $0xD0000000  }
0x3: {  	_ = 	snop  }
0x4: {  	_ = 	snop  }
0x5: {  	_ = 	snop  }
0x6: {  	_ = 	snop  }
0x7: {  	_ = 	snop  }
__scs_overlays_trampoline_lowered:
0x8: {  	[smem:$0x3FAA] =	sst s0  }
0x9: {  	[smem:$0x3FAB] =	sst s1  }
0xa: {  	[smem:$0x3FAC] =	sst s2  }
0xb: {  	[smem:$0x3FAD] =	sst s3  }
0xc: {  	[smem:$0x3FAE] =	sst s4  }
0xd: {  	[smem:$0x3FAF] =	sst s5  }
0xe: {  	[smem:$0x3FB0] =	sst s6  }
0xf: {  	[smem:$0x3FB1] =	sst s7  }
0x10: {  	[smem:$0x3FB2] =	sst s8  }
0x11: {  	[smem:$0x3FB3] =	sst s9;
	s0 =	simm.s32 @!p0 $0x0  }
0x12: {  	s1 =	sld [smem:$0x3F99];
	s0 =	simm.s32 @p0 $0x1  }
0x13: {  	[smem:$0x3FB4] =	sst s0;
	s0 =	simm.s32 @!p1 $0x0  }
0x14: {  	s2 =	sld [smem:$0x3F98];
	s0 =	simm.s32 @p1 $0x1  }
0x15: {  	[smem:$0x3FB5] =	sst s0;
	s0 =	simm.s32 @!p2 $0x0  }
0x16: {  	s3 =	sld [smem:$0x3FDB];
	s0 =	simm.s32 @p2 $0x1  }
0x17: {  	s4 =	simm.s32 $0x1BF5;
	[smem:$0x3FB7] =	sst s0  }
0x18: {  	s0 =	sld [smem:$0x3F9A];
	_ =	swait.ge [sflag:s4], $0x0  }
0x19: {  	s7 =	sld [smem:$0x3F9B]  }
0x1a: {  	s8 =	sadd.s32 $0xFFFFE003, lr  }
0x1b: {  	s9 =	sadd.s32 $0xFFFFFEF7, lr;
	s5 =	simm.s32 $0xFFFFFFFF;
	p2 =	slt.u32 s8, $0xFFFFF086  }
0x1c: {  	p1 =	slt.u32 s9, $0xF7A;
	s5 =	simm.s32 @!p2 $0x0  }
0x1d: {  	s5 =	simm.s32 @p1 $0x1;
	p0 =	seq.s32 s7, s2  }
0x1e: {  	s7 =	smul.u32 @!p0 $0xF7A, s2;
	p2 =	seq.s32 @!p0 s5, $0x0  }
0x1f: {  	s9 =	smul.u32 $0xF7A, s1;
	s8 =	simm.s32 @!p0 $0x1BF5;
	p2 =	por !p2, p0  }
0x20: {  	[sflag:s8] =	ssyncset.s32 @!p0 $0xFFFFF086;
	s6 =	sadd.s32 @!p0 s3, s7;
	s7 =	simm.s32 @!p0 $0x108  }
0x21: {  	s3 =	sadd.s32 s3, s9;
	s6 =	sadd.s32 @!p0 $0x88, s6;
	s7 =	simm.s32 @p2 $0x1082  }
0x22: {  	[simem:s7], [sflag:s8] =	dma.local @!p0 [hbm:s6], $0xF7A  }
0x23: {  	s9 =	sor.u32 $0xD0000000, s2;
	s6 =	simm.s32 $0x108;
	_ =	swait.ge @!p0 [sflag:s8], $0x0  }
0x24: {  	s3 =	sadd.s32 $0x88, s3;
	s6 =	simm.s32 @!p1 $0x1082;
	[sflag:s4] =	ssyncset.s32 $0xFFFFF086  }
0x25: {  	[simem:s6], [sflag:s4] =	dma.local [hbm:s3], $0xF7A  }
0x26: {  	[smem:$0x3F9B] =	sst s1;
	(tag) =	ssettag s2;
	_ =	strace s9  }
0x27: {  	s1 =	sld [smem:$0x3FAB]  }
0x28: {  	s2 =	sld [smem:$0x3FAC]  }
0x29: {  	s4 =	sld [smem:$0x3FAE]  }
0x2a: {  	p0 =	seq.s32 s5, $0x0;
	s5 =	sld [smem:$0x3FAF]  }
0x2b: {  	s6 =	sld [smem:$0x3FB0]  }
0x2c: {  	s7 =	sld [smem:$0x3FB1]  }
0x2d: {  	s3 =	simm.s32 $0x108;
	s8 =	sld [smem:$0x3FB2]  }
0x2e: {  	s3 =	simm.s32 @!p0 $0x1082;
	s9 =	sld [smem:$0x3FB3]  }
0x2f: {  	lr =	sadd.s32 s0, s3;
	s0 =	sld [smem:$0x3FAA]  }
0x30: {  	s3 =	sld [smem:$0x3FAD]  }
0x31: {  	[smem:$0x3FB6] =	sst s10  }
0x32: {  	s10 =	sld [smem:$0x3FB4];
	_ =	sdelay $0x3  }
0x33: {  	p0 =	seq.s32 s10, $0x1;
	s10 =	sld [smem:$0x3FB6];
	_ =	sdelay $0x3  }
0x34: {  	[smem:$0x3FB6] =	sst s10  }
0x35: {  	s10 =	sld [smem:$0x3FB5];
	_ =	sdelay $0x3  }
0x36: {  	p1 =	seq.s32 s10, $0x1;
	s10 =	sld [smem:$0x3FB6];
	_ =	sdelay $0x3  }
0x37: {  	[smem:$0x3FB6] =	sst s10  }
0x38: {  	s10 =	sld [smem:$0x3FB7]  }
0x39: {  	_ = 	snop;
	(pc) =	sbr.ind lr, $3  }
0x3a: {  	_ = 	snop  }
0x3b: {  	_ = 	snop  }
0x3c: {  	p2 =	seq.s32 s10, $0x1;
	s10 =	sld [smem:$0x3FB6]  }
0x3d: {  	_ =	shalt  }
0x3e: {  	_ =	shalt  }
0x3f: {  	_ =	shalt  }
0x40: {  	_ =	shalt  }
0x41: {  	_ =	shalt  }
0x42: {  	_ =	shalt  }
0x43: {  	_ =	shalt  }
0x44: {  	_ =	shalt  }
0x45: {  	_ =	shalt  }
0x46: {  	_ =	shalt  }
0x47: {  	_ =	shalt  }
0x48: {  	_ =	shalt  }
0x49: {  	_ =	shalt  }
0x4a: {  	_ =	shalt  }
0x4b: {  	_ =	shalt  }
0x4c: {  	_ =	shalt  }
0x4d: {  	_ =	shalt  }
0x4e: {  	_ =	shalt  }
0x4f: {  	_ =	shalt  }
0x50: {  	_ =	shalt  }
0x51: {  	_ =	shalt  }
0x52: {  	_ =	shalt  }
0x53: {  	_ =	shalt  }
0x54: {  	_ =	shalt  }
0x55: {  	_ =	shalt  }
0x56: {  	_ =	shalt  }
0x57: {  	_ =	shalt  }
0x58: {  	_ =	shalt  }
0x59: {  	_ =	shalt  }
0x5a: {  	_ =	shalt  }
0x5b: {  	_ =	shalt  }
0x5c: {  	_ =	shalt  }
0x5d: {  	_ =	shalt  }
0x5e: {  	_ =	shalt  }
0x5f: {  	_ =	shalt  }
0x60: {  	_ =	shalt  }
0x61: {  	_ =	shalt  }
0x62: {  	_ =	shalt  }
0x63: {  	_ =	shalt  }
0x64: {  	_ =	shalt  }
0x65: {  	_ =	shalt  }
0x66: {  	_ =	shalt  }
0x67: {  	_ =	shalt  }
0x68: {  	_ =	shalt  }
0x69: {  	_ =	shalt  }
0x6a: {  	_ =	shalt  }
0x6b: {  	_ =	shalt  }
0x6c: {  	_ =	shalt  }
0x6d: {  	_ =	shalt  }
0x6e: {  	_ =	shalt  }
0x6f: {  	_ =	shalt  }
0x70: {  	_ =	shalt  }
0x71: {  	_ =	shalt  }
0x72: {  	_ =	shalt  }
0x73: {  	_ =	shalt  }
0x74: {  	_ =	shalt  }
0x75: {  	_ =	shalt  }
0x76: {  	_ =	shalt  }
0x77: {  	_ =	shalt  }
0x78: {  	_ =	shalt  }
0x79: {  	_ =	shalt  }
0x7a: {  	_ =	shalt  }
0x7b: {  	_ =	shalt  }
0x7c: {  	_ =	shalt  }
0x7d: {  	_ =	shalt  }
0x7e: {  	_ =	shalt  }
0x7f: {  	_ =	shalt  }
0x80: {  	_ =	shalt  }
0x81: {  	_ =	shalt  }
0x82: {  	_ =	shalt  }
0x83: {  	_ =	shalt  }
0x84: {  	_ =	shalt  }
0x85: {  	_ =	shalt  }
0x86: {  	_ =	shalt  }
0x87: {  	_ =	shalt  }
.Lfunc_end0:
.L_simem_size_0:
called_computation.1_lowered:
.L_overlay_start_0:
0x88: {  	s2 =	sld [smem:$0x3FD9]  }
0x89: {  	s3 =	sld [smem:$0x3FFE];
	_ =	sdelay $0x1  }
0x8a: {  	s1 =	srdreg.scid  }
0x8b: {  	s0 =	sand.u32 $0x1, s1  }
0x8c: {  	s17 =	sshll.u32 s0, $0xA;
	s2 =	sadd.s32 s3, s2  }
0x8d: {  	s2 =	sadd.s32 s2, s17  }
0x8e: {  	[smem:$0x3FC2] =	sst s2  }
0x8f: {  	_ = 	snop  }
0x90: {  	s2 =	sld [smem:$0x3FD0];
	(tm) =	ssettm $0x1  }
0x91: {  	s18 =	sld [smem:$0x3FFB];
	_ =	sdelay $0x3  }
0x92: {  	_ =	strace s18  }
0x93: {  	s3 =	sld [smem:$0x3FFC];
	_ =	sdelay $0x3  }
0x94: {  	_ =	strace s3  }
0x95: {  	s3 =	sld [smem:$0x3FFD];
	_ =	sdelay $0x3  }
0x96: {  	_ =	strace s3  }
0x97: {  	_ =	strace $0x8FFFFFFF  }
0x98: {  	s19 =	sld [smem:$0x3FDB];
	_ =	sdelay $0x1  }
0x99: {  	s4 =	simm.s32 $_scs_section_size  }
0x9a: {  	s5 =	simm.s32 $_size__tile_overlayer_lowered;
	s6 =	simm.s32 $_tile_overlayer_lowered  }
0x9b: {  	s22 =	simm.s32 $0x1BFF;
	s21 =	sshll.u32 s6, $0x1;
	s3 =	sadd.s32 s4, s19  }
0x9c: {  	s7 =	simm.s32 $0x0;
	s20 =	sshll.u32 s5, $0x1;
	s5 =	sadd.s32 s21, s3  }
0x9d: {  	[timem:s7], [sflag:s22] =	dma.local [hbm:s5], s20  }
0x9e: {  	_ =	swait.ge [sflag:s22], s20  }
0x9f: {  	s4 =	ssub.s32 $0x0, s20;
	[sflag:s22] =	ssyncset.done $0x0  }
0xa0: {  	[sflag:s22] =	ssyncadd.s32 s4;
	_ =	sdelay $0x1  }
0xa1: {  	s23 =	simm.s32 $0x1B8B  }
0xa2: {  	_ =	swait.ge [sflag:s23], $0x1  }
0xa3: {  	[sflag:s23] =	ssyncset.done $0x0  }
0xa4: {  	s25 =	simm.s32 $0x1B8E;
	s24 =	sld [smem:$0x3FFE];
	[sflag:s23] =	ssyncadd.s32 $0xFFFFFFFF  }
0xa5: {  	s26 =	simm.s32 $execute0_lowered;
	[smem:$0x3FD2] =	sst s25  }
0xa6: {  	s5 =	sshll.u32 s26, $0x1;
	_ =	strace $0x80000049;
	[dreg:$0x1] =	wrdreg $0xFFFFFFFF  }
0xa7: {  	s28 =	simm.s32 $_size_execute0_lowered;
	s3 =	sadd.s32 s3, s5;
	[dreg:$0x0] =	wrdreg $0x0  }
0xa8: {  	s5 =	sshll.u32 s28, $0x1;
	[dreg:$0x2] =	wrdreg s3  }
0xa9: {  	[dreg:$0x3] =	wrdreg s5  }
0xaa: {  	[dreg:$0x4] =	wrdreg $0xC0  }
0xab: {  	_ =	task [dreg:s7], $0x5FFFF  }
0xac: {  	[dreg:$0x1] =	wrdreg $0xFFFFFFFF  }
0xad: {  	[dreg:$0x0] =	wrdreg $0x60  }
0xae: {  	[dreg:$0x2] =	wrdreg s24  }
0xaf: {  	[dreg:$0x3] =	wrdreg s2  }
0xb0: {  	[dreg:$0x4] =	wrdreg $0x5F000  }
0xb1: {  	[dreg:$0x5] =	wrdreg $0x86100  }
0xb2: {  	[dreg:$0x6] =	wrdreg $0x9  }
0xb3: {  	_ =	task.clear_ibuf [dreg:s7], $0x7FFFF;
	_ =	strace $0x90000049  }
0xb4: {  	s29 =	simm.s32 $0x9;
	_ =	strace $0x8000004B  }
0xb5: {  	_ =	swait.ge [sflag:s29], $0x1  }
0xb6: {  	[sflag:s29] =	ssyncadd.s32 $0xFFFFFFFF  }
0xb7: {  	_ =	strace $0x9000004B  }
0xb8: {  	_ =	sfence  }
0xb9: {  	s30 =	sld [smem:$0x0];
	_ =	sdelay $0x2  }
0xba: {  	s31 =	sshll.u32 s1, $0xD;
	s1 =	sshrl.u32 s1, $0x2  }
0xbb: {  	s3 =	sand.u32 $0x4000, s31;
	s1 =	sadd.s32 s1, s30  }
0xbc: {  	s0 =	sor.u32 s3, s0;
	s1 =	sshll.u32 s1, $0x11  }
0xbd: {  	s0 =	sor.u32 s1, s0  }
0xbe: {  	s0 =	sadd.s32 $0x8F2B, s0  }
0xbf: {  	[sflag:s0] =	ssyncadd.remote.s32 $0x1  }
0xc0: {  	_ =	sfence.sel $0xFFFF  }
0xc1: {  	[dreg:$0x0] =	wrdreg $0xFFFFFFFF;
	(pc) =	sbr.abs _section_cstart, $3  }
0xc2: {  	[dreg:$0x1] =	wrdreg $0xFFFFFFFF  }
0xc3: {  	_ =	task.clear_ibuf [dreg:s7], $0x2FFFF;
	_ =	strace $0x9FFFFFFF  }
0xc4: {  	(tm) =	ssettm $0x7FFFFFFF  }
0xc5: {  	_ =	shalt  }
tec
execute0_lowered:
.L_overlay_start_1:
0x0: {  	(tag) =	ssettag $0x1  }
0x1: {  	s6 =	rddreg [dreg:$0x0]  }
0x2: {  	s11 =	rddreg [dreg:$0x1]  }
0x3: {  	s2 =	rddreg [dreg:$0x2]  }
0x4: {  	s3 =	rddreg [dreg:$0x3]  }
0x5: {  	s0 =	rddreg [dreg:$0x4];
	s1 =	stileid.u32  }
0x6: {  	s5 =	srdreg.scid;
	s4 =	simm.s32 $0x0;
	s21 =	simm.s32 $0x4F00  }
0x7: {  	s22 =	simm.s32 $0x5700;
	s23 =	simm.s32 $0x3;
	s24 =	simm.s32 $0x4D80  }
0x8: {  	s25 =	simm.s32 $0x4E00;
	s7 =	smul.u32 $0x2710, s1;
	s8 =	sand.u32 $0x1, s5  }
0x9: {  	s10 =	smul.u32 $0x2780, s1;
	[smem:$0x7FF] =	sst s4;
	s5 =	sadd.s32 $0x2E00, s6  }
0xa: {  	s19 =	sadd.s32 $0x9C40, s11;
	s9 =	smul.u32 $0x27800, s8;
	_ =	strace $0x8000004A  }
0xb: {  	s13 =	ssub.s32 $0x2, s8;
	s8 =	sshll.u32 s8, $0x4;
	s26 =	sshrl.u32 s7, $0x3  }
0xc: {  	s28 =	sshrl.u32 s13, $0x1;
	s15 =	sor.u32 s1, s8;
	s17 =	sadd.s32 s7, s2  }
0xd: {  	s18 =	sadd.s32 s10, s3;
	s20 =	sshrl.u32 s10, $0x3;
	s12 =	sadd.s32 s26, s6  }
0xe: {  	s9 =	sadd.s32 s10, s9;
	s16 =	ssub.s32 s13, s28;
	s29 =	smul.u32 $0x4E0, s15  }
0xf: {  	s31 =	smul.u32 $0x4F0, s15;
	p0 =	sgt.u32 s15, $0x3;
	s15 =	sshrl.u32 s17, $0x3  }
0x10: {  	s17 =	sshrl.u32 s18, $0x3;
	s18 =	simm.s32 $0x1;
	s26 =	simm.s32 $0x0  }
0x11: {  	s9 =	sshrl.u32 s9, $0x3;
	s7 =	sadd.s32 $0x3400, s12;
	s12 =	sadd.s32 s20, s19  }
0x12: {  	s14 =	sadd.s32 s9, s6;
	s6 =	sshll.u32 s1, $0x6;
	s30 =	sadd.s32 $0x40, s29  }
0x13: {  	s20 =	simm.s32 $0x80;
	s8 =	sor.u32 $0x1C02, s6;
	s9 =	sadd.s32 s11, s30  }
0x14: {  	s10 =	sadd.s32 s30, s19;
	s11 =	sadd.s32 s11, s31;
	s13 =	sadd.s32 $0x8400, s14  }
0x15: {  	s14 =	smax.u32 s16, $0x1;
	s16 =	sor.u32 $0x1C01, s6;
	s19 =	simm.s32 $0x2  }
.LBB2_1:
0x16: {  	[spmem:s15], [sflag:s8] =	dma.local [hbm:s7], $0x4E2  }
0x17: {  	s28 =	simm.s32 @p0 $0x0;
	s29 =	simm.s32 @p0 $0x3  }
0x18: {  	[spmem:s17], [sflag:s16] =	dma.local [hbm:s5], $0x4F0  }
0x19: {  	[tilespmem:s28], [sflag:$0x3] =	stream.linear.gather @p0 [hbm4b:s9+s28], $0x2700, $0x38;
	[tilespmem:$0xAD90] =	vst v63  }
0x1a: {  	_ =	swait.ge @p0 [sflag:s29], $0x2700  }
0x1b: {  	[sflag:s29] =	ssyncset.done @p0 $0x0  }
0x1c: {  	s30 =	simm.s32 @p0 $0x2780;
	[sflag:s29] =	ssyncadd.s32 @p0 $0xFFFFD900  }
0x1d: {  	[tilespmem:s30], [sflag:$0x3] =	stream.linear.gather @p0 [hbm4b:s10+s28], $0x2700, $0x38;
	[tilespmem:$0xAD90] =	vst v63  }
0x1e: {  	_ =	swait.ge @p0 [sflag:s29], $0x2700  }
0x1f: {  	[sflag:s29] =	ssyncset.done @p0 $0x0  }
0x20: {  	s28 =	simm.s32 @!p0 $0x0;
	[sflag:s29] =	ssyncadd.s32 @p0 $0xFFFFD900;
	s29 =	simm.s32 @!p0 $0x3  }
0x21: {  	[tilespmem:s28], [sflag:$0x3] =	stream.linear.gather @!p0 [hbm4b:s11+s28], $0x2780, $0x38;
	[tilespmem:$0xAD90] =	vst v63  }
0x22: {  	_ =	swait.ge @!p0 [sflag:s29], $0x2780  }
0x23: {  	[sflag:s29] =	ssyncset.done @!p0 $0x0  }
0x24: {  	s30 =	simm.s32 @!p0 $0x2780;
	[sflag:s29] =	ssyncadd.s32 @!p0 $0xFFFFD880  }
0x25: {  	[tilespmem:s30], [sflag:$0x3] =	stream.linear.gather @!p0 [hbm4b:s12+s28], $0x2780, $0x38;
	[tilespmem:$0xAD90] =	vst v63  }
0x26: {  	_ =	swait.ge @!p0 [sflag:s29], $0x2780  }
0x27: {  	[sflag:s29] =	ssyncset.done @!p0 $0x0  }
0x28: {  	[sflag:s29] =	ssyncadd.s32 @!p0 $0xFFFFD880  }
0x29: {  	_ =	swait.ge [sflag:s18], $0x4F0  }
0x2a: {  	[sflag:s18] =	ssyncset.done $0x0  }
0x2b: {  	[sflag:s18] =	ssyncadd.s32 $0xFFFFFB10  }
0x2c: {  	_ =	swait.ge [sflag:s19], $0x4E2  }
0x2d: {  	[sflag:s19] =	ssyncset.done $0x0  }
0x2e: {  	[sflag:s19] =	ssyncadd.s32 $0xFFFFFB1E  }
0x2f: {  	[bflag:$0x0] =	sbarrier.arrive $0xFFFF  }
0x30: {  	[tilespmem:s21], [sflag:$0x1] =	stream.indirect.gather [spmem:s2], $0x10, s4, s20, $0xb8;
	[tilespmem:$0xAD90] =	vst v63  }
0x31: {  	_ = 	snop  }
0x32: {  	[tilespmem:s22], [sflag:$0x2] =	stream.indirect.gather [spmem:s2], $0x10, s20, s20, $0xb8;
	[tilespmem:$0xAD90] =	vst v63  }
0x33: {  	_ =	swait.ge [sflag:s18], $0x800  }
0x34: {  	[sflag:s18] =	ssyncset.done $0x0  }
0x35: {  	s28 =	simm.s32 $0x2780;
	[sflag:s18] =	ssyncadd.s32 $0xFFFFF800  }
0x36: {  	[spmem:s3] =	stream.indirect.scatter.add.f32 [tilespmem:s21], [sflag:$0x3], $0x10, s28, s20, $0xb8;
	[tilespmem:$0xAD90] =	vst v63  }
0x37: {  	_ =	swait.ge [sflag:s23], $0x800  }
0x38: {  	[sflag:s23] =	ssyncset.done $0x0  }
0x39: {  	s28 =	simm.s32 $0x100;
	[sflag:s23] =	ssyncadd.s32 $0xFFFFF800  }
0x3a: {  	[tilespmem:s21], [sflag:$0x1] =	stream.indirect.gather [spmem:s2], $0x10, s28, s20, $0xb8;
	[tilespmem:$0xAD90] =	vst v63  }
0x3b: {  	_ =	swait.ge [sflag:s19], $0x800  }
0x3c: {  	[sflag:s19] =	ssyncset.done $0x0  }
0x3d: {  	s28 =	simm.s32 $0x2800;
	[sflag:s19] =	ssyncadd.s32 $0xFFFFF800  }
0x3e: {  	[spmem:s3] =	stream.indirect.scatter.add.f32 [tilespmem:s22], [sflag:$0x3], $0x10, s28, s20, $0xb8;
	[tilespmem:$0xAD90] =	vst v63  }
0x3f: {  	_ =	swait.ge [sflag:s23], $0x800  }
0x40: {  	[sflag:s23] =	ssyncset.done $0x0  }
0x41: {  	s29 =	simm.s32 $0x180;
	s28 =	simm.s32 $0x400;
	[sflag:s23] =	ssyncadd.s32 $0xFFFFF800  }
.LBB2_2:
0x42: {  	[tilespmem:s22], [sflag:$0x2] =	stream.indirect.gather [spmem:s2], $0x10, s29, s20, $0xb8;
	[tilespmem:$0xAD90] =	vst v63  }
0x43: {  	s29 =	smov.u32 s28  }
0x44: {  	p1 =	sne.s32 s28, $0x9400;
	s28 =	sadd.s32 $0x400, s28;
	_ =	swait.ge [sflag:s18], $0x800  }
0x45: {  	s29 =	sshra.s32 s29, $0x2;
	[sflag:s18] =	ssyncset.done $0x0  }
0x46: {  	s30 =	sadd.s32 $0x2780, s29;
	[sflag:s18] =	ssyncadd.s32 $0xFFFFF800  }
0x47: {  	[spmem:s3] =	stream.indirect.scatter.add.f32 [tilespmem:s21], [sflag:$0x3], $0x10, s30, s20, $0xb8;
	[tilespmem:$0xAD90] =	vst v63  }
0x48: {  	_ =	swait.ge [sflag:s23], $0x800  }
0x49: {  	[sflag:s23] =	ssyncset.done $0x0  }
0x4a: {  	s30 =	sadd.s32 $0x100, s29;
	[sflag:s23] =	ssyncadd.s32 $0xFFFFF800  }
0x4b: {  	[tilespmem:s21], [sflag:$0x1] =	stream.indirect.gather [spmem:s2], $0x10, s30, s20, $0xb8;
	[tilespmem:$0xAD90] =	vst v63  }
0x4c: {  	_ =	swait.ge [sflag:s19], $0x800  }
0x4d: {  	[sflag:s19] =	ssyncset.done $0x0  }
.Ltmp0:
0x4e: {  	s30 =	sadd.s32 $0x2800, s29;
	[sflag:s19] =	ssyncadd.s32 $0xFFFFF800;
	(pc) =	sbr.rel @p1 .LBB2_2-.Ltmp0, $4  }
0x4f: {  	[spmem:s3] =	stream.indirect.scatter.add.f32 [tilespmem:s22], [sflag:$0x3], $0x10, s30, s20, $0xb8;
	[tilespmem:$0xAD90] =	vst v63  }
0x50: {  	_ =	swait.ge [sflag:s23], $0x800  }
0x51: {  	[sflag:s23] =	ssyncset.done $0x0  }
0x52: {  	s29 =	sadd.s32 $0x180, s29;
	[sflag:s23] =	ssyncadd.s32 $0xFFFFF800  }
0x53: {  	[tilespmem:s22], [sflag:$0x2] =	stream.indirect.gather [spmem:s2], $0x10, s29, s20, $0xb8;
	[tilespmem:$0xAD90] =	vst v63  }
0x54: {  	_ =	swait.ge [sflag:s18], $0x800  }
0x55: {  	[sflag:s18] =	ssyncset.done $0x0  }
0x56: {  	[sflag:s18] =	ssyncadd.s32 $0xFFFFF800  }
0x57: {  	[spmem:s3] =	stream.indirect.scatter.add.f32 [tilespmem:s21], [sflag:$0x3], $0x10, s24, s20, $0xb8;
	[tilespmem:$0xAD90] =	vst v63  }
0x58: {  	_ =	swait.ge [sflag:s23], $0x800  }
0x59: {  	[sflag:s23] =	ssyncset.done $0x0  }
0x5a: {  	[sflag:s23] =	ssyncadd.s32 $0xFFFFF800  }
0x5b: {  	_ =	swait.ge [sflag:s19], $0x800  }
0x5c: {  	[sflag:s19] =	ssyncset.done $0x0  }
0x5d: {  	[sflag:s19] =	ssyncadd.s32 $0xFFFFF800  }
0x5e: {  	[spmem:s3] =	stream.indirect.scatter.add.f32 [tilespmem:s22], [sflag:$0x3], $0x10, s25, s20, $0xb8;
	[tilespmem:$0xAD90] =	vst v63  }
0x5f: {  	_ =	swait.ge [sflag:s23], $0x800  }
0x60: {  	s28 =	simm.s32 @!p0 $0x80;
	[sflag:s23] =	ssyncset.done $0x0  }
0x61: {  	s29 =	simm.s32 @!p0 $0x2700;
	s30 =	simm.s32 @!p0 $0x4F00;
	[sflag:s23] =	ssyncadd.s32 $0xFFFFF800  }
0x62: {  	[tilespmem:s30], [sflag:$0x1] =	stream.indirect.gather @!p0 [spmem:s2], $0x10, s29, s28, $0xb8;
	[tilespmem:$0xAD90] =	vst v63  }
0x63: {  	s29 =	simm.s32 @!p0 $0x1  }
0x64: {  	_ =	swait.ge @!p0 [sflag:s29], $0x800  }
0x65: {  	[sflag:s29] =	ssyncset.done @!p0 $0x0  }
0x66: {  	[sflag:s29] =	ssyncadd.s32 @!p0 $0xFFFFF800;
	s29 =	simm.s32 @!p0 $0x4E80  }
0x67: {  	[spmem:s3] =	stream.indirect.scatter.add.f32 @!p0 [tilespmem:s30], [sflag:$0x3], $0x10, s29, s28, $0xb8;
	[tilespmem:$0xAD90] =	vst v63  }
0x68: {  	s28 =	simm.s32 @!p0 $0x3  }
0x69: {  	_ =	swait.ge @!p0 [sflag:s28], $0x800  }
0x6a: {  	s26 =	sadd.s32 $0x1, s26;
	[sflag:s28] =	ssyncset.done @!p0 $0x0  }
0x6b: {  	p1 =	sne.s32 s26, s14;
	[sflag:s28] =	ssyncadd.s32 @!p0 $0xFFFFF800  }
.Ltmp1:
0x6c: {  	s31 =	sor.u32 $0x1C03, s6;
	[bflag:$0x0] =	sbarrier.arrive $0xFFFF;
	(pc) =	sbr.rel @p1 .LBB2_1-.Ltmp1, $4  }
0x6d: {  	[hbm:s13], [sflag:s31] =	dma.local [spmem:s17], $0x4F0  }
0x6e: {  	_ =	swait.ge [sflag:s23], $0x4F0  }
0x6f: {  	[sflag:s23] =	ssyncset.done $0x0  }
0x70: {  	[sflag:s23] =	ssyncadd.s32 $0xFFFFFB10  }
0x71: {  	_ =	sfence.sel $0x180000  }
0x72: {  	[bflag:$0x0] =	sbarrier.arrive $0xFFFF  }
0x73: {  	p0 =	sne.s32 s1, $0x0;
	_ =	strace $0x9000004A  }
0x74: {  	s0 =	sadd.s32 @!p0 $0x100000, s0;
	[bflag:$0x2] =	sbarrier.arrive $0xFFFF  }
0x75: {  	[sflag:s0] =	ssyncadd.tile.s32 @!p0 $0x1;
	_ =	shalt  }
.Lfunc_end2:
_tile_overlayer_lowered:
.L_overlay_start_2:
0x76: {  	(tag) =	ssettag $0x2  }
0x77: {  	s0 =	rddreg [dreg:$0x0];
	s2 =	stileid.u32  }
0x78: {  	s1 =	rddreg [dreg:$0x1];
	p0 =	sne.s32 s2, $0x0  }
0x79: {  	s3 =	rddreg [dreg:$0x2];
	[bflag:$0x3] =	sbarrier.arrive $0xFFFF;
	s2 =	simm.s32 @!p0 $0x1C03  }
0x7a: {  	[timem:s3], [sflag:s2] =	dma.local @!p0 [hbm:s0], s1  }
0x7b: {  	s0 =	simm.s32 @!p0 $0x3  }
0x7c: {  	_ =	swait.ge @!p0 [sflag:s0], s1  }
0x7d: {  	s1 =	ssub.s32 @!p0 $0x0, s1;
	[sflag:s0] =	ssyncset.done @!p0 $0x0  }
0x7e: {  	[sflag:s0] =	ssyncadd.s32 @!p0 s1  }
0x7f: {  	[bflag:$0x3] =	sbarrier.arrive $0xFFFF  }
0x80: {  	_ =	shalt  }

// kernel: kernel.15.cloned.1.call-start
scs
__scs_entry_jumppad:
0x0: {  	(pc) =	sbr.rel $0x88, $3  }
0x1: {  	(tag) =	ssettag $0x0;
	lr =	simm.s32 $0x1  }
0x2: {  	[smem:$0x3F9B] =	sst lr;
	_ =	strace $0xD0000000  }
0x3: {  	_ = 	snop  }
0x4: {  	_ = 	snop  }
0x5: {  	_ = 	snop  }
0x6: {  	_ = 	snop  }
0x7: {  	_ = 	snop  }
__scs_overlays_trampoline_lowered:
0x8: {  	[smem:$0x3FAA] =	sst s0  }
0x9: {  	[smem:$0x3FAB] =	sst s1  }
0xa: {  	[smem:$0x3FAC] =	sst s2  }
0xb: {  	[smem:$0x3FAD] =	sst s3  }
0xc: {  	[smem:$0x3FAE] =	sst s4  }
0xd: {  	[smem:$0x3FAF] =	sst s5  }
0xe: {  	[smem:$0x3FB0] =	sst s6  }
0xf: {  	[smem:$0x3FB1] =	sst s7  }
0x10: {  	[smem:$0x3FB2] =	sst s8  }
0x11: {  	[smem:$0x3FB3] =	sst s9;
	s0 =	simm.s32 @!p0 $0x0  }
0x12: {  	s1 =	sld [smem:$0x3F99];
	s0 =	simm.s32 @p0 $0x1  }
0x13: {  	[smem:$0x3FB4] =	sst s0;
	s0 =	simm.s32 @!p1 $0x0  }
0x14: {  	s2 =	sld [smem:$0x3F98];
	s0 =	simm.s32 @p1 $0x1  }
0x15: {  	[smem:$0x3FB5] =	sst s0;
	s0 =	simm.s32 @!p2 $0x0  }
0x16: {  	s3 =	sld [smem:$0x3FDB];
	s0 =	simm.s32 @p2 $0x1  }
0x17: {  	s4 =	simm.s32 $0x1BF5;
	[smem:$0x3FB7] =	sst s0  }
0x18: {  	s0 =	sld [smem:$0x3F9A];
	_ =	swait.ge [sflag:s4], $0x0  }
0x19: {  	s7 =	sld [smem:$0x3F9B]  }
0x1a: {  	s8 =	sadd.s32 $0xFFFFE003, lr  }
0x1b: {  	s9 =	sadd.s32 $0xFFFFFEF7, lr;
	s5 =	simm.s32 $0xFFFFFFFF;
	p2 =	slt.u32 s8, $0xFFFFF086  }
0x1c: {  	p1 =	slt.u32 s9, $0xF7A;
	s5 =	simm.s32 @!p2 $0x0  }
0x1d: {  	s5 =	simm.s32 @p1 $0x1;
	p0 =	seq.s32 s7, s2  }
0x1e: {  	s7 =	smul.u32 @!p0 $0xF7A, s2;
	p2 =	seq.s32 @!p0 s5, $0x0  }
0x1f: {  	s9 =	smul.u32 $0xF7A, s1;
	s8 =	simm.s32 @!p0 $0x1BF5;
	p2 =	por !p2, p0  }
0x20: {  	[sflag:s8] =	ssyncset.s32 @!p0 $0xFFFFF086;
	s6 =	sadd.s32 @!p0 s3, s7;
	s7 =	simm.s32 @!p0 $0x108  }
0x21: {  	s3 =	sadd.s32 s3, s9;
	s6 =	sadd.s32 @!p0 $0x88, s6;
	s7 =	simm.s32 @p2 $0x1082  }
0x22: {  	[simem:s7], [sflag:s8] =	dma.local @!p0 [hbm:s6], $0xF7A  }
0x23: {  	s9 =	sor.u32 $0xD0000000, s2;
	s6 =	simm.s32 $0x108;
	_ =	swait.ge @!p0 [sflag:s8], $0x0  }
0x24: {  	s3 =	sadd.s32 $0x88, s3;
	s6 =	simm.s32 @!p1 $0x1082;
	[sflag:s4] =	ssyncset.s32 $0xFFFFF086  }
0x25: {  	[simem:s6], [sflag:s4] =	dma.local [hbm:s3], $0xF7A  }
0x26: {  	[smem:$0x3F9B] =	sst s1;
	(tag) =	ssettag s2;
	_ =	strace s9  }
0x27: {  	s1 =	sld [smem:$0x3FAB]  }
0x28: {  	s2 =	sld [smem:$0x3FAC]  }
0x29: {  	s4 =	sld [smem:$0x3FAE]  }
0x2a: {  	p0 =	seq.s32 s5, $0x0;
	s5 =	sld [smem:$0x3FAF]  }
0x2b: {  	s6 =	sld [smem:$0x3FB0]  }
0x2c: {  	s7 =	sld [smem:$0x3FB1]  }
0x2d: {  	s3 =	simm.s32 $0x108;
	s8 =	sld [smem:$0x3FB2]  }
0x2e: {  	s3 =	simm.s32 @!p0 $0x1082;
	s9 =	sld [smem:$0x3FB3]  }
0x2f: {  	lr =	sadd.s32 s0, s3;
	s0 =	sld [smem:$0x3FAA]  }
0x30: {  	s3 =	sld [smem:$0x3FAD]  }
0x31: {  	[smem:$0x3FB6] =	sst s10  }
0x32: {  	s10 =	sld [smem:$0x3FB4];
	_ =	sdelay $0x3  }
0x33: {  	p0 =	seq.s32 s10, $0x1;
	s10 =	sld [smem:$0x3FB6];
	_ =	sdelay $0x3  }
0x34: {  	[smem:$0x3FB6] =	sst s10  }
0x35: {  	s10 =	sld [smem:$0x3FB5];
	_ =	sdelay $0x3  }
0x36: {  	p1 =	seq.s32 s10, $0x1;
	s10 =	sld [smem:$0x3FB6];
	_ =	sdelay $0x3  }
0x37: {  	[smem:$0x3FB6] =	sst s10  }
0x38: {  	s10 =	sld [smem:$0x3FB7]  }
0x39: {  	_ = 	snop;
	(pc) =	sbr.ind lr, $3  }
0x3a: {  	_ = 	snop  }
0x3b: {  	_ = 	snop  }
0x3c: {  	p2 =	seq.s32 s10, $0x1;
	s10 =	sld [smem:$0x3FB6]  }
0x3d: {  	_ =	shalt  }
0x3e: {  	_ =	shalt  }
0x3f: {  	_ =	shalt  }
0x40: {  	_ =	shalt  }
0x41: {  	_ =	shalt  }
0x42: {  	_ =	shalt  }
0x43: {  	_ =	shalt  }
0x44: {  	_ =	shalt  }
0x45: {  	_ =	shalt  }
0x46: {  	_ =	shalt  }
0x47: {  	_ =	shalt  }
0x48: {  	_ =	shalt  }
0x49: {  	_ =	shalt  }
0x4a: {  	_ =	shalt  }
0x4b: {  	_ =	shalt  }
0x4c: {  	_ =	shalt  }
0x4d: {  	_ =	shalt  }
0x4e: {  	_ =	shalt  }
0x4f: {  	_ =	shalt  }
0x50: {  	_ =	shalt  }
0x51: {  	_ =	shalt  }
0x52: {  	_ =	shalt  }
0x53: {  	_ =	shalt  }
0x54: {  	_ =	shalt  }
0x55: {  	_ =	shalt  }
0x56: {  	_ =	shalt  }
0x57: {  	_ =	shalt  }
0x58: {  	_ =	shalt  }
0x59: {  	_ =	shalt  }
0x5a: {  	_ =	shalt  }
0x5b: {  	_ =	shalt  }
0x5c: {  	_ =	shalt  }
0x5d: {  	_ =	shalt  }
0x5e: {  	_ =	shalt  }
0x5f: {  	_ =	shalt  }
0x60: {  	_ =	shalt  }
0x61: {  	_ =	shalt  }
0x62: {  	_ =	shalt  }
0x63: {  	_ =	shalt  }
0x64: {  	_ =	shalt  }
0x65: {  	_ =	shalt  }
0x66: {  	_ =	shalt  }
0x67: {  	_ =	shalt  }
0x68: {  	_ =	shalt  }
0x69: {  	_ =	shalt  }
0x6a: {  	_ =	shalt  }
0x6b: {  	_ =	shalt  }
0x6c: {  	_ =	shalt  }
0x6d: {  	_ =	shalt  }
0x6e: {  	_ =	shalt  }
0x6f: {  	_ =	shalt  }
0x70: {  	_ =	shalt  }
0x71: {  	_ =	shalt  }
0x72: {  	_ =	shalt  }
0x73: {  	_ =	shalt  }
0x74: {  	_ =	shalt  }
0x75: {  	_ =	shalt  }
0x76: {  	_ =	shalt  }
0x77: {  	_ =	shalt  }
0x78: {  	_ =	shalt  }
0x79: {  	_ =	shalt  }
0x7a: {  	_ =	shalt  }
0x7b: {  	_ =	shalt  }
0x7c: {  	_ =	shalt  }
0x7d: {  	_ =	shalt  }
0x7e: {  	_ =	shalt  }
0x7f: {  	_ =	shalt  }
0x80: {  	_ =	shalt  }
0x81: {  	_ =	shalt  }
0x82: {  	_ =	shalt  }
0x83: {  	_ =	shalt  }
0x84: {  	_ =	shalt  }
0x85: {  	_ =	shalt  }
0x86: {  	_ =	shalt  }
0x87: {  	_ =	shalt  }
.Lfunc_end0:
.L_simem_size_0:
called_computation.2_lowered:
.L_overlay_start_0:
0x88: {  	s2 =	sld [smem:$0x3FD9]  }
0x89: {  	s3 =	sld [smem:$0x3FFE];
	_ =	sdelay $0x1  }
0x8a: {  	s1 =	srdreg.scid  }
0x8b: {  	s0 =	sand.u32 $0x1, s1  }
0x8c: {  	s17 =	sshll.u32 s0, $0xA;
	s2 =	sadd.s32 s3, s2  }
0x8d: {  	s2 =	sadd.s32 s2, s17  }
0x8e: {  	[smem:$0x3FC2] =	sst s2  }
0x8f: {  	_ = 	snop  }
0x90: {  	s2 =	sld [smem:$0x3FD0];
	(tm) =	ssettm $0x1  }
0x91: {  	s18 =	sld [smem:$0x3FFB];
	_ =	sdelay $0x3  }
0x92: {  	_ =	strace s18  }
0x93: {  	s3 =	sld [smem:$0x3FFC];
	_ =	sdelay $0x3  }
0x94: {  	_ =	strace s3  }
0x95: {  	s3 =	sld [smem:$0x3FFD];
	_ =	sdelay $0x3  }
0x96: {  	_ =	strace s3  }
0x97: {  	_ =	strace $0x8FFFFFFF  }
0x98: {  	s19 =	sld [smem:$0x3FDB];
	_ =	sdelay $0x1  }
0x99: {  	s4 =	simm.s32 $_scs_section_size  }
0x9a: {  	s5 =	simm.s32 $_size__tile_overlayer_lowered;
	s6 =	simm.s32 $_tile_overlayer_lowered  }
0x9b: {  	s22 =	simm.s32 $0x1BFF;
	s21 =	sshll.u32 s6, $0x1;
	s3 =	sadd.s32 s4, s19  }
0x9c: {  	s7 =	simm.s32 $0x0;
	s20 =	sshll.u32 s5, $0x1;
	s5 =	sadd.s32 s21, s3  }
0x9d: {  	[timem:s7], [sflag:s22] =	dma.local [hbm:s5], s20  }
0x9e: {  	_ =	swait.ge [sflag:s22], s20  }
0x9f: {  	s4 =	ssub.s32 $0x0, s20;
	[sflag:s22] =	ssyncset.done $0x0  }
0xa0: {  	[sflag:s22] =	ssyncadd.s32 s4;
	_ =	sdelay $0x1  }
0xa1: {  	s23 =	simm.s32 $0x1B8B  }
0xa2: {  	_ =	swait.ge [sflag:s23], $0x1  }
0xa3: {  	[sflag:s23] =	ssyncset.done $0x0  }
0xa4: {  	s25 =	simm.s32 $0x1B8E;
	s24 =	sld [smem:$0x3FFE];
	[sflag:s23] =	ssyncadd.s32 $0xFFFFFFFF  }
0xa5: {  	s26 =	simm.s32 $execute0_lowered;
	[smem:$0x3FD2] =	sst s25  }
0xa6: {  	s5 =	sshll.u32 s26, $0x1;
	_ =	strace $0x8000004C;
	[dreg:$0x1] =	wrdreg $0xFFFFFFFF  }
0xa7: {  	s28 =	simm.s32 $_size_execute0_lowered;
	s3 =	sadd.s32 s3, s5;
	[dreg:$0x0] =	wrdreg $0x0  }
0xa8: {  	s5 =	sshll.u32 s28, $0x1;
	[dreg:$0x2] =	wrdreg s3  }
0xa9: {  	[dreg:$0x3] =	wrdreg s5  }
0xaa: {  	[dreg:$0x4] =	wrdreg $0xC0  }
0xab: {  	_ =	task [dreg:s7], $0x5FFFF  }
0xac: {  	[dreg:$0x1] =	wrdreg $0xFFFFFFFF  }
0xad: {  	[dreg:$0x0] =	wrdreg $0x60  }
0xae: {  	[dreg:$0x2] =	wrdreg s24  }
0xaf: {  	[dreg:$0x3] =	wrdreg s2  }
0xb0: {  	[dreg:$0x4] =	wrdreg $0x5F000  }
0xb1: {  	[dreg:$0x5] =	wrdreg $0x86100  }
0xb2: {  	[dreg:$0x6] =	wrdreg $0x9  }
0xb3: {  	_ =	task.clear_ibuf [dreg:s7], $0x7FFFF;
	_ =	strace $0x9000004C  }
0xb4: {  	s29 =	simm.s32 $0x9;
	_ =	strace $0x8000004E  }
0xb5: {  	_ =	swait.ge [sflag:s29], $0x1  }
0xb6: {  	[sflag:s29] =	ssyncadd.s32 $0xFFFFFFFF  }
0xb7: {  	_ =	strace $0x9000004E  }
0xb8: {  	_ =	sfence  }
0xb9: {  	s30 =	sld [smem:$0x0];
	_ =	sdelay $0x2  }
0xba: {  	s31 =	sshll.u32 s1, $0xD;
	s1 =	sshrl.u32 s1, $0x2  }
0xbb: {  	s3 =	sand.u32 $0x4000, s31;
	s1 =	sadd.s32 s1, s30  }
0xbc: {  	s0 =	sor.u32 s3, s0;
	s1 =	sshll.u32 s1, $0x11  }
0xbd: {  	s0 =	sor.u32 s1, s0  }
0xbe: {  	s0 =	sadd.s32 $0x8F2B, s0  }
0xbf: {  	[sflag:s0] =	ssyncadd.remote.s32 $0x1  }
0xc0: {  	_ =	sfence.sel $0xFFFF  }
0xc1: {  	[dreg:$0x0] =	wrdreg $0xFFFFFFFF;
	(pc) =	sbr.abs _section_cstart, $3  }
0xc2: {  	[dreg:$0x1] =	wrdreg $0xFFFFFFFF  }
0xc3: {  	_ =	task.clear_ibuf [dreg:s7], $0x2FFFF;
	_ =	strace $0x9FFFFFFF  }
0xc4: {  	(tm) =	ssettm $0x7FFFFFFF  }
0xc5: {  	_ =	shalt  }
tec
execute0_lowered:
.L_overlay_start_1:
0x0: {  	(tag) =	ssettag $0x1  }
0x1: {  	s6 =	rddreg [dreg:$0x0]  }
0x2: {  	s11 =	rddreg [dreg:$0x1]  }
0x3: {  	s2 =	rddreg [dreg:$0x2]  }
0x4: {  	s3 =	rddreg [dreg:$0x3]  }
0x5: {  	s0 =	rddreg [dreg:$0x4];
	s1 =	stileid.u32  }
0x6: {  	s5 =	srdreg.scid;
	s4 =	simm.s32 $0x0;
	s21 =	simm.s32 $0x4F00  }
0x7: {  	s22 =	simm.s32 $0x5700;
	s23 =	simm.s32 $0x3;
	s24 =	simm.s32 $0x4D80  }
0x8: {  	s25 =	simm.s32 $0x4E00;
	s7 =	smul.u32 $0x2710, s1;
	s8 =	sand.u32 $0x1, s5  }
0x9: {  	s10 =	smul.u32 $0x2780, s1;
	[smem:$0x7FF] =	sst s4;
	s5 =	sadd.s32 $0x2E00, s6  }
0xa: {  	s19 =	sadd.s32 $0x9C40, s11;
	s9 =	smul.u32 $0x27800, s8;
	_ =	strace $0x8000004D  }
0xb: {  	s13 =	ssub.s32 $0x2, s8;
	s8 =	sshll.u32 s8, $0x4;
	s26 =	sshrl.u32 s7, $0x3  }
0xc: {  	s28 =	sshrl.u32 s13, $0x1;
	s15 =	sor.u32 s1, s8;
	s17 =	sadd.s32 s7, s2  }
0xd: {  	s18 =	sadd.s32 s10, s3;
	s20 =	sshrl.u32 s10, $0x3;
	s12 =	sadd.s32 s26, s6  }
0xe: {  	s9 =	sadd.s32 s10, s9;
	s16 =	ssub.s32 s13, s28;
	s29 =	smul.u32 $0x4E0, s15  }
0xf: {  	s31 =	smul.u32 $0x4F0, s15;
	p0 =	sgt.u32 s15, $0x3;
	s15 =	sshrl.u32 s17, $0x3  }
0x10: {  	s17 =	sshrl.u32 s18, $0x3;
	s18 =	simm.s32 $0x1;
	s26 =	simm.s32 $0x0  }
0x11: {  	s9 =	sshrl.u32 s9, $0x3;
	s7 =	sadd.s32 $0x3400, s12;
	s12 =	sadd.s32 s20, s19  }
0x12: {  	s14 =	sadd.s32 s9, s6;
	s6 =	sshll.u32 s1, $0x6;
	s30 =	sadd.s32 $0x40, s29  }
0x13: {  	s20 =	simm.s32 $0x80;
	s8 =	sor.u32 $0x1C02, s6;
	s9 =	sadd.s32 s11, s30  }
0x14: {  	s10 =	sadd.s32 s30, s19;
	s11 =	sadd.s32 s11, s31;
	s13 =	sadd.s32 $0x8400, s14  }
0x15: {  	s14 =	smax.u32 s16, $0x1;
	s16 =	sor.u32 $0x1C01, s6;
	s19 =	simm.s32 $0x2  }
.LBB2_1:
0x16: {  	[spmem:s15], [sflag:s8] =	dma.local [hbm:s7], $0x4E2  }
0x17: {  	s28 =	simm.s32 @p0 $0x0;
	s29 =	simm.s32 @p0 $0x3  }
0x18: {  	[spmem:s17], [sflag:s16] =	dma.local [hbm:s5], $0x4F0  }
0x19: {  	[tilespmem:s28], [sflag:$0x3] =	stream.linear.gather @p0 [hbm4b:s9+s28], $0x2700, $0x38;
	[tilespmem:$0xAD90] =	vst v63  }
0x1a: {  	_ =	swait.ge @p0 [sflag:s29], $0x2700  }
0x1b: {  	[sflag:s29] =	ssyncset.done @p0 $0x0  }
0x1c: {  	s30 =	simm.s32 @p0 $0x2780;
	[sflag:s29] =	ssyncadd.s32 @p0 $0xFFFFD900  }
0x1d: {  	[tilespmem:s30], [sflag:$0x3] =	stream.linear.gather @p0 [hbm4b:s10+s28], $0x2700, $0x38;
	[tilespmem:$0xAD90] =	vst v63  }
0x1e: {  	_ =	swait.ge @p0 [sflag:s29], $0x2700  }
0x1f: {  	[sflag:s29] =	ssyncset.done @p0 $0x0  }
0x20: {  	s28 =	simm.s32 @!p0 $0x0;
	[sflag:s29] =	ssyncadd.s32 @p0 $0xFFFFD900;
	s29 =	simm.s32 @!p0 $0x3  }
0x21: {  	[tilespmem:s28], [sflag:$0x3] =	stream.linear.gather @!p0 [hbm4b:s11+s28], $0x2780, $0x38;
	[tilespmem:$0xAD90] =	vst v63  }
0x22: {  	_ =	swait.ge @!p0 [sflag:s29], $0x2780  }
0x23: {  	[sflag:s29] =	ssyncset.done @!p0 $0x0  }
0x24: {  	s30 =	simm.s32 @!p0 $0x2780;
	[sflag:s29] =	ssyncadd.s32 @!p0 $0xFFFFD880  }
0x25: {  	[tilespmem:s30], [sflag:$0x3] =	stream.linear.gather @!p0 [hbm4b:s12+s28], $0x2780, $0x38;
	[tilespmem:$0xAD90] =	vst v63  }
0x26: {  	_ =	swait.ge @!p0 [sflag:s29], $0x2780  }
0x27: {  	[sflag:s29] =	ssyncset.done @!p0 $0x0  }
0x28: {  	[sflag:s29] =	ssyncadd.s32 @!p0 $0xFFFFD880  }
0x29: {  	_ =	swait.ge [sflag:s18], $0x4F0  }
0x2a: {  	[sflag:s18] =	ssyncset.done $0x0  }
0x2b: {  	[sflag:s18] =	ssyncadd.s32 $0xFFFFFB10  }
0x2c: {  	_ =	swait.ge [sflag:s19], $0x4E2  }
0x2d: {  	[sflag:s19] =	ssyncset.done $0x0  }
0x2e: {  	[sflag:s19] =	ssyncadd.s32 $0xFFFFFB1E  }
0x2f: {  	[bflag:$0x0] =	sbarrier.arrive $0xFFFF  }
0x30: {  	[tilespmem:s21], [sflag:$0x1] =	stream.indirect.gather [spmem:s2], $0x10, s4, s20, $0xb8;
	[tilespmem:$0xAD90] =	vst v63  }
0x31: {  	_ = 	snop  }
0x32: {  	[tilespmem:s22], [sflag:$0x2] =	stream.indirect.gather [spmem:s2], $0x10, s20, s20, $0xb8;
	[tilespmem:$0xAD90] =	vst v63  }
0x33: {  	_ =	swait.ge [sflag:s18], $0x800  }
0x34: {  	[sflag:s18] =	ssyncset.done $0x0  }
0x35: {  	s28 =	simm.s32 $0x2780;
	[sflag:s18] =	ssyncadd.s32 $0xFFFFF800  }
0x36: {  	[spmem:s3] =	stream.indirect.scatter.add.f32 [tilespmem:s21], [sflag:$0x3], $0x10, s28, s20, $0xb8;
	[tilespmem:$0xAD90] =	vst v63  }
0x37: {  	_ =	swait.ge [sflag:s23], $0x800  }
0x38: {  	[sflag:s23] =	ssyncset.done $0x0  }
0x39: {  	s28 =	simm.s32 $0x100;
	[sflag:s23] =	ssyncadd.s32 $0xFFFFF800  }
0x3a: {  	[tilespmem:s21], [sflag:$0x1] =	stream.indirect.gather [spmem:s2], $0x10, s28, s20, $0xb8;
	[tilespmem:$0xAD90] =	vst v63  }
0x3b: {  	_ =	swait.ge [sflag:s19], $0x800  }
0x3c: {  	[sflag:s19] =	ssyncset.done $0x0  }
0x3d: {  	s28 =	simm.s32 $0x2800;
	[sflag:s19] =	ssyncadd.s32 $0xFFFFF800  }
0x3e: {  	[spmem:s3] =	stream.indirect.scatter.add.f32 [tilespmem:s22], [sflag:$0x3], $0x10, s28, s20, $0xb8;
	[tilespmem:$0xAD90] =	vst v63  }
0x3f: {  	_ =	swait.ge [sflag:s23], $0x800  }
0x40: {  	[sflag:s23] =	ssyncset.done $0x0  }
0x41: {  	s29 =	simm.s32 $0x180;
	s28 =	simm.s32 $0x400;
	[sflag:s23] =	ssyncadd.s32 $0xFFFFF800  }
.LBB2_2:
0x42: {  	[tilespmem:s22], [sflag:$0x2] =	stream.indirect.gather [spmem:s2], $0x10, s29, s20, $0xb8;
	[tilespmem:$0xAD90] =	vst v63  }
0x43: {  	s29 =	smov.u32 s28  }
0x44: {  	p1 =	sne.s32 s28, $0x9400;
	s28 =	sadd.s32 $0x400, s28;
	_ =	swait.ge [sflag:s18], $0x800  }
0x45: {  	s29 =	sshra.s32 s29, $0x2;
	[sflag:s18] =	ssyncset.done $0x0  }
0x46: {  	s30 =	sadd.s32 $0x2780, s29;
	[sflag:s18] =	ssyncadd.s32 $0xFFFFF800  }
0x47: {  	[spmem:s3] =	stream.indirect.scatter.add.f32 [tilespmem:s21], [sflag:$0x3], $0x10, s30, s20, $0xb8;
	[tilespmem:$0xAD90] =	vst v63  }
0x48: {  	_ =	swait.ge [sflag:s23], $0x800  }
0x49: {  	[sflag:s23] =	ssyncset.done $0x0  }
0x4a: {  	s30 =	sadd.s32 $0x100, s29;
	[sflag:s23] =	ssyncadd.s32 $0xFFFFF800  }
0x4b: {  	[tilespmem:s21], [sflag:$0x1] =	stream.indirect.gather [spmem:s2], $0x10, s30, s20, $0xb8;
	[tilespmem:$0xAD90] =	vst v63  }
0x4c: {  	_ =	swait.ge [sflag:s19], $0x800  }
0x4d: {  	[sflag:s19] =	ssyncset.done $0x0  }
.Ltmp0:
0x4e: {  	s30 =	sadd.s32 $0x2800, s29;
	[sflag:s19] =	ssyncadd.s32 $0xFFFFF800;
	(pc) =	sbr.rel @p1 .LBB2_2-.Ltmp0, $4  }
0x4f: {  	[spmem:s3] =	stream.indirect.scatter.add.f32 [tilespmem:s22], [sflag:$0x3], $0x10, s30, s20, $0xb8;
	[tilespmem:$0xAD90] =	vst v63  }
0x50: {  	_ =	swait.ge [sflag:s23], $0x800  }
0x51: {  	[sflag:s23] =	ssyncset.done $0x0  }
0x52: {  	s29 =	sadd.s32 $0x180, s29;
	[sflag:s23] =	ssyncadd.s32 $0xFFFFF800  }
0x53: {  	[tilespmem:s22], [sflag:$0x2] =	stream.indirect.gather [spmem:s2], $0x10, s29, s20, $0xb8;
	[tilespmem:$0xAD90] =	vst v63  }
0x54: {  	_ =	swait.ge [sflag:s18], $0x800  }
0x55: {  	[sflag:s18] =	ssyncset.done $0x0  }
0x56: {  	[sflag:s18] =	ssyncadd.s32 $0xFFFFF800  }
0x57: {  	[spmem:s3] =	stream.indirect.scatter.add.f32 [tilespmem:s21], [sflag:$0x3], $0x10, s24, s20, $0xb8;
	[tilespmem:$0xAD90] =	vst v63  }
0x58: {  	_ =	swait.ge [sflag:s23], $0x800  }
0x59: {  	[sflag:s23] =	ssyncset.done $0x0  }
0x5a: {  	[sflag:s23] =	ssyncadd.s32 $0xFFFFF800  }
0x5b: {  	_ =	swait.ge [sflag:s19], $0x800  }
0x5c: {  	[sflag:s19] =	ssyncset.done $0x0  }
0x5d: {  	[sflag:s19] =	ssyncadd.s32 $0xFFFFF800  }
0x5e: {  	[spmem:s3] =	stream.indirect.scatter.add.f32 [tilespmem:s22], [sflag:$0x3], $0x10, s25, s20, $0xb8;
	[tilespmem:$0xAD90] =	vst v63  }
0x5f: {  	_ =	swait.ge [sflag:s23], $0x800  }
0x60: {  	s28 =	simm.s32 @!p0 $0x80;
	[sflag:s23] =	ssyncset.done $0x0  }
0x61: {  	s29 =	simm.s32 @!p0 $0x2700;
	s30 =	simm.s32 @!p0 $0x4F00;
	[sflag:s23] =	ssyncadd.s32 $0xFFFFF800  }
0x62: {  	[tilespmem:s30], [sflag:$0x1] =	stream.indirect.gather @!p0 [spmem:s2], $0x10, s29, s28, $0xb8;
	[tilespmem:$0xAD90] =	vst v63  }
0x63: {  	s29 =	simm.s32 @!p0 $0x1  }
0x64: {  	_ =	swait.ge @!p0 [sflag:s29], $0x800  }
0x65: {  	[sflag:s29] =	ssyncset.done @!p0 $0x0  }
0x66: {  	[sflag:s29] =	ssyncadd.s32 @!p0 $0xFFFFF800;
	s29 =	simm.s32 @!p0 $0x4E80  }
0x67: {  	[spmem:s3] =	stream.indirect.scatter.add.f32 @!p0 [tilespmem:s30], [sflag:$0x3], $0x10, s29, s28, $0xb8;
	[tilespmem:$0xAD90] =	vst v63  }
0x68: {  	s28 =	simm.s32 @!p0 $0x3  }
0x69: {  	_ =	swait.ge @!p0 [sflag:s28], $0x800  }
0x6a: {  	s26 =	sadd.s32 $0x1, s26;
	[sflag:s28] =	ssyncset.done @!p0 $0x0  }
0x6b: {  	p1 =	sne.s32 s26, s14;
	[sflag:s28] =	ssyncadd.s32 @!p0 $0xFFFFF800  }
.Ltmp1:
0x6c: {  	s31 =	sor.u32 $0x1C03, s6;
	[bflag:$0x0] =	sbarrier.arrive $0xFFFF;
	(pc) =	sbr.rel @p1 .LBB2_1-.Ltmp1, $4  }
0x6d: {  	[hbm:s13], [sflag:s31] =	dma.local [spmem:s17], $0x4F0  }
0x6e: {  	_ =	swait.ge [sflag:s23], $0x4F0  }
0x6f: {  	[sflag:s23] =	ssyncset.done $0x0  }
0x70: {  	[sflag:s23] =	ssyncadd.s32 $0xFFFFFB10  }
0x71: {  	_ =	sfence.sel $0x180000  }
0x72: {  	[bflag:$0x0] =	sbarrier.arrive $0xFFFF  }
0x73: {  	p0 =	sne.s32 s1, $0x0;
	_ =	strace $0x9000004D  }
0x74: {  	s0 =	sadd.s32 @!p0 $0x100000, s0;
	[bflag:$0x2] =	sbarrier.arrive $0xFFFF  }
0x75: {  	[sflag:s0] =	ssyncadd.tile.s32 @!p0 $0x1;
	_ =	shalt  }
.Lfunc_end2:
_tile_overlayer_lowered:
.L_overlay_start_2:
0x76: {  	(tag) =	ssettag $0x2  }
0x77: {  	s0 =	rddreg [dreg:$0x0];
	s2 =	stileid.u32  }
0x78: {  	s1 =	rddreg [dreg:$0x1];
	p0 =	sne.s32 s2, $0x0  }
0x79: {  	s3 =	rddreg [dreg:$0x2];
	[bflag:$0x3] =	sbarrier.arrive $0xFFFF;
	s2 =	simm.s32 @!p0 $0x1C03  }
0x7a: {  	[timem:s3], [sflag:s2] =	dma.local @!p0 [hbm:s0], s1  }
0x7b: {  	s0 =	simm.s32 @!p0 $0x3  }
0x7c: {  	_ =	swait.ge @!p0 [sflag:s0], s1  }
0x7d: {  	s1 =	ssub.s32 @!p0 $0x0, s1;
	[sflag:s0] =	ssyncset.done @!p0 $0x0  }
0x7e: {  	[sflag:s0] =	ssyncadd.s32 @!p0 s1  }
0x7f: {  	[bflag:$0x3] =	sbarrier.arrive $0xFFFF  }
0x80: {  	_ =	shalt  }

// kernel: kernel.9.cloned.1.call-start
scs
__scs_entry_jumppad:
0x0: {  	(pc) =	sbr.rel $0x88, $3  }
0x1: {  	(tag) =	ssettag $0x0;
	lr =	simm.s32 $0x1  }
0x2: {  	[smem:$0x3F9B] =	sst lr;
	_ =	strace $0xD0000000  }
0x3: {  	_ = 	snop  }
0x4: {  	_ = 	snop  }
0x5: {  	_ = 	snop  }
0x6: {  	_ = 	snop  }
0x7: {  	_ = 	snop  }
__scs_overlays_trampoline_lowered:
0x8: {  	[smem:$0x3FAA] =	sst s0  }
0x9: {  	[smem:$0x3FAB] =	sst s1  }
0xa: {  	[smem:$0x3FAC] =	sst s2  }
0xb: {  	[smem:$0x3FAD] =	sst s3  }
0xc: {  	[smem:$0x3FAE] =	sst s4  }
0xd: {  	[smem:$0x3FAF] =	sst s5  }
0xe: {  	[smem:$0x3FB0] =	sst s6  }
0xf: {  	[smem:$0x3FB1] =	sst s7  }
0x10: {  	[smem:$0x3FB2] =	sst s8  }
0x11: {  	[smem:$0x3FB3] =	sst s9;
	s0 =	simm.s32 @!p0 $0x0  }
0x12: {  	s1 =	sld [smem:$0x3F99];
	s0 =	simm.s32 @p0 $0x1  }
0x13: {  	[smem:$0x3FB4] =	sst s0;
	s0 =	simm.s32 @!p1 $0x0  }
0x14: {  	s2 =	sld [smem:$0x3F98];
	s0 =	simm.s32 @p1 $0x1  }
0x15: {  	[smem:$0x3FB5] =	sst s0;
	s0 =	simm.s32 @!p2 $0x0  }
0x16: {  	s3 =	sld [smem:$0x3FDB];
	s0 =	simm.s32 @p2 $0x1  }
0x17: {  	s4 =	simm.s32 $0x1BF5;
	[smem:$0x3FB7] =	sst s0  }
0x18: {  	s0 =	sld [smem:$0x3F9A];
	_ =	swait.ge [sflag:s4], $0x0  }
0x19: {  	s7 =	sld [smem:$0x3F9B]  }
0x1a: {  	s8 =	sadd.s32 $0xFFFFE003, lr  }
0x1b: {  	s9 =	sadd.s32 $0xFFFFFEF7, lr;
	s5 =	simm.s32 $0xFFFFFFFF;
	p2 =	slt.u32 s8, $0xFFFFF086  }
0x1c: {  	p1 =	slt.u32 s9, $0xF7A;
	s5 =	simm.s32 @!p2 $0x0  }
0x1d: {  	s5 =	simm.s32 @p1 $0x1;
	p0 =	seq.s32 s7, s2  }
0x1e: {  	s7 =	smul.u32 @!p0 $0xF7A, s2;
	p2 =	seq.s32 @!p0 s5, $0x0  }
0x1f: {  	s9 =	smul.u32 $0xF7A, s1;
	s8 =	simm.s32 @!p0 $0x1BF5;
	p2 =	por !p2, p0  }
0x20: {  	[sflag:s8] =	ssyncset.s32 @!p0 $0xFFFFF086;
	s6 =	sadd.s32 @!p0 s3, s7;
	s7 =	simm.s32 @!p0 $0x108  }
0x21: {  	s3 =	sadd.s32 s3, s9;
	s6 =	sadd.s32 @!p0 $0x88, s6;
	s7 =	simm.s32 @p2 $0x1082  }
0x22: {  	[simem:s7], [sflag:s8] =	dma.local @!p0 [hbm:s6], $0xF7A  }
0x23: {  	s9 =	sor.u32 $0xD0000000, s2;
	s6 =	simm.s32 $0x108;
	_ =	swait.ge @!p0 [sflag:s8], $0x0  }
0x24: {  	s3 =	sadd.s32 $0x88, s3;
	s6 =	simm.s32 @!p1 $0x1082;
	[sflag:s4] =	ssyncset.s32 $0xFFFFF086  }
0x25: {  	[simem:s6], [sflag:s4] =	dma.local [hbm:s3], $0xF7A  }
0x26: {  	[smem:$0x3F9B] =	sst s1;
	(tag) =	ssettag s2;
	_ =	strace s9  }
0x27: {  	s1 =	sld [smem:$0x3FAB]  }
0x28: {  	s2 =	sld [smem:$0x3FAC]  }
0x29: {  	s4 =	sld [smem:$0x3FAE]  }
0x2a: {  	p0 =	seq.s32 s5, $0x0;
	s5 =	sld [smem:$0x3FAF]  }
0x2b: {  	s6 =	sld [smem:$0x3FB0]  }
0x2c: {  	s7 =	sld [smem:$0x3FB1]  }
0x2d: {  	s3 =	simm.s32 $0x108;
	s8 =	sld [smem:$0x3FB2]  }
0x2e: {  	s3 =	simm.s32 @!p0 $0x1082;
	s9 =	sld [smem:$0x3FB3]  }
0x2f: {  	lr =	sadd.s32 s0, s3;
	s0 =	sld [smem:$0x3FAA]  }
0x30: {  	s3 =	sld [smem:$0x3FAD]  }
0x31: {  	[smem:$0x3FB6] =	sst s10  }
0x32: {  	s10 =	sld [smem:$0x3FB4];
	_ =	sdelay $0x3  }
0x33: {  	p0 =	seq.s32 s10, $0x1;
	s10 =	sld [smem:$0x3FB6];
	_ =	sdelay $0x3  }
0x34: {  	[smem:$0x3FB6] =	sst s10  }
0x35: {  	s10 =	sld [smem:$0x3FB5];
	_ =	sdelay $0x3  }
0x36: {  	p1 =	seq.s32 s10, $0x1;
	s10 =	sld [smem:$0x3FB6];
	_ =	sdelay $0x3  }
0x37: {  	[smem:$0x3FB6] =	sst s10  }
0x38: {  	s10 =	sld [smem:$0x3FB7]  }
0x39: {  	_ = 	snop;
	(pc) =	sbr.ind lr, $3  }
0x3a: {  	_ = 	snop  }
0x3b: {  	_ = 	snop  }
0x3c: {  	p2 =	seq.s32 s10, $0x1;
	s10 =	sld [smem:$0x3FB6]  }
0x3d: {  	_ =	shalt  }
0x3e: {  	_ =	shalt  }
0x3f: {  	_ =	shalt  }
0x40: {  	_ =	shalt  }
0x41: {  	_ =	shalt  }
0x42: {  	_ =	shalt  }
0x43: {  	_ =	shalt  }
0x44: {  	_ =	shalt  }
0x45: {  	_ =	shalt  }
0x46: {  	_ =	shalt  }
0x47: {  	_ =	shalt  }
0x48: {  	_ =	shalt  }
0x49: {  	_ =	shalt  }
0x4a: {  	_ =	shalt  }
0x4b: {  	_ =	shalt  }
0x4c: {  	_ =	shalt  }
0x4d: {  	_ =	shalt  }
0x4e: {  	_ =	shalt  }
0x4f: {  	_ =	shalt  }
0x50: {  	_ =	shalt  }
0x51: {  	_ =	shalt  }
0x52: {  	_ =	shalt  }
0x53: {  	_ =	shalt  }
0x54: {  	_ =	shalt  }
0x55: {  	_ =	shalt  }
0x56: {  	_ =	shalt  }
0x57: {  	_ =	shalt  }
0x58: {  	_ =	shalt  }
0x59: {  	_ =	shalt  }
0x5a: {  	_ =	shalt  }
0x5b: {  	_ =	shalt  }
0x5c: {  	_ =	shalt  }
0x5d: {  	_ =	shalt  }
0x5e: {  	_ =	shalt  }
0x5f: {  	_ =	shalt  }
0x60: {  	_ =	shalt  }
0x61: {  	_ =	shalt  }
0x62: {  	_ =	shalt  }
0x63: {  	_ =	shalt  }
0x64: {  	_ =	shalt  }
0x65: {  	_ =	shalt  }
0x66: {  	_ =	shalt  }
0x67: {  	_ =	shalt  }
0x68: {  	_ =	shalt  }
0x69: {  	_ =	shalt  }
0x6a: {  	_ =	shalt  }
0x6b: {  	_ =	shalt  }
0x6c: {  	_ =	shalt  }
0x6d: {  	_ =	shalt  }
0x6e: {  	_ =	shalt  }
0x6f: {  	_ =	shalt  }
0x70: {  	_ =	shalt  }
0x71: {  	_ =	shalt  }
0x72: {  	_ =	shalt  }
0x73: {  	_ =	shalt  }
0x74: {  	_ =	shalt  }
0x75: {  	_ =	shalt  }
0x76: {  	_ =	shalt  }
0x77: {  	_ =	shalt  }
0x78: {  	_ =	shalt  }
0x79: {  	_ =	shalt  }
0x7a: {  	_ =	shalt  }
0x7b: {  	_ =	shalt  }
0x7c: {  	_ =	shalt  }
0x7d: {  	_ =	shalt  }
0x7e: {  	_ =	shalt  }
0x7f: {  	_ =	shalt  }
0x80: {  	_ =	shalt  }
0x81: {  	_ =	shalt  }
0x82: {  	_ =	shalt  }
0x83: {  	_ =	shalt  }
0x84: {  	_ =	shalt  }
0x85: {  	_ =	shalt  }
0x86: {  	_ =	shalt  }
0x87: {  	_ =	shalt  }
.Lfunc_end0:
.L_simem_size_0:
called_computation_lowered:
.L_overlay_start_0:
0x88: {  	s2 =	sld [smem:$0x3FD9]  }
0x89: {  	s3 =	sld [smem:$0x3FFE];
	_ =	sdelay $0x1  }
0x8a: {  	s1 =	srdreg.scid  }
0x8b: {  	s0 =	sand.u32 $0x1, s1  }
0x8c: {  	s17 =	sshll.u32 s0, $0xA;
	s2 =	sadd.s32 s3, s2  }
0x8d: {  	s2 =	sadd.s32 s2, s17  }
0x8e: {  	[smem:$0x3FC2] =	sst s2  }
0x8f: {  	_ = 	snop  }
0x90: {  	s2 =	sld [smem:$0x3FD0];
	(tm) =	ssettm $0x1  }
0x91: {  	s18 =	sld [smem:$0x3FFB];
	_ =	sdelay $0x3  }
0x92: {  	_ =	strace s18  }
0x93: {  	s3 =	sld [smem:$0x3FFC];
	_ =	sdelay $0x3  }
0x94: {  	_ =	strace s3  }
0x95: {  	s3 =	sld [smem:$0x3FFD];
	_ =	sdelay $0x3  }
0x96: {  	_ =	strace s3  }
0x97: {  	_ =	strace $0x8FFFFFFF  }
0x98: {  	s19 =	sld [smem:$0x3FDB];
	_ =	sdelay $0x1  }
0x99: {  	s4 =	simm.s32 $_scs_section_size  }
0x9a: {  	s5 =	simm.s32 $_size__tile_overlayer_lowered;
	s6 =	simm.s32 $_tile_overlayer_lowered  }
0x9b: {  	s22 =	simm.s32 $0x1BFF;
	s21 =	sshll.u32 s6, $0x1;
	s3 =	sadd.s32 s4, s19  }
0x9c: {  	s7 =	simm.s32 $0x0;
	s20 =	sshll.u32 s5, $0x1;
	s5 =	sadd.s32 s21, s3  }
0x9d: {  	[timem:s7], [sflag:s22] =	dma.local [hbm:s5], s20  }
0x9e: {  	_ =	swait.ge [sflag:s22], s20  }
0x9f: {  	s4 =	ssub.s32 $0x0, s20;
	[sflag:s22] =	ssyncset.done $0x0  }
0xa0: {  	[sflag:s22] =	ssyncadd.s32 s4;
	_ =	sdelay $0x1  }
0xa1: {  	s23 =	simm.s32 $0x1B8B  }
0xa2: {  	_ =	swait.ge [sflag:s23], $0x1  }
0xa3: {  	[sflag:s23] =	ssyncset.done $0x0  }
0xa4: {  	s25 =	simm.s32 $0x1B8E;
	s24 =	sld [smem:$0x3FFE];
	[sflag:s23] =	ssyncadd.s32 $0xFFFFFFFF  }
0xa5: {  	s26 =	simm.s32 $execute0_lowered;
	[smem:$0x3FD2] =	sst s25  }
0xa6: {  	s5 =	sshll.u32 s26, $0x1;
	_ =	strace $0x80000046;
	[dreg:$0x1] =	wrdreg $0xFFFFFFFF  }
0xa7: {  	s28 =	simm.s32 $_size_execute0_lowered;
	s3 =	sadd.s32 s3, s5;
	[dreg:$0x0] =	wrdreg $0x0  }
0xa8: {  	s5 =	sshll.u32 s28, $0x1;
	[dreg:$0x2] =	wrdreg s3  }
0xa9: {  	[dreg:$0x3] =	wrdreg s5  }
0xaa: {  	[dreg:$0x4] =	wrdreg $0xC0  }
0xab: {  	_ =	task [dreg:s7], $0x5FFFF  }
0xac: {  	[dreg:$0x1] =	wrdreg $0xFFFFFFFF  }
0xad: {  	[dreg:$0x0] =	wrdreg $0x60  }
0xae: {  	[dreg:$0x2] =	wrdreg s24  }
0xaf: {  	[dreg:$0x3] =	wrdreg s2  }
0xb0: {  	[dreg:$0x4] =	wrdreg $0x2F800  }
0xb1: {  	[dreg:$0x5] =	wrdreg $0x9  }
0xb2: {  	_ =	task.clear_ibuf [dreg:s7], $0x6FFFF;
	_ =	strace $0x90000046  }
0xb3: {  	s29 =	simm.s32 $0x9;
	_ =	strace $0x80000048  }
0xb4: {  	_ =	swait.ge [sflag:s29], $0x1  }
0xb5: {  	[sflag:s29] =	ssyncadd.s32 $0xFFFFFFFF  }
0xb6: {  	_ =	strace $0x90000048  }
0xb7: {  	_ =	sfence  }
0xb8: {  	s30 =	sld [smem:$0x0];
	_ =	sdelay $0x2  }
0xb9: {  	s31 =	sshll.u32 s1, $0xD;
	s1 =	sshrl.u32 s1, $0x2  }
0xba: {  	s3 =	sand.u32 $0x4000, s31;
	s1 =	sadd.s32 s1, s30  }
0xbb: {  	s0 =	sor.u32 s3, s0;
	s1 =	sshll.u32 s1, $0x11  }
0xbc: {  	s0 =	sor.u32 s1, s0  }
0xbd: {  	s0 =	sadd.s32 $0x8F2B, s0  }
0xbe: {  	[sflag:s0] =	ssyncadd.remote.s32 $0x1  }
0xbf: {  	_ =	sfence.sel $0xFFFF  }
0xc0: {  	[dreg:$0x0] =	wrdreg $0xFFFFFFFF;
	(pc) =	sbr.abs _section_cstart, $3  }
0xc1: {  	[dreg:$0x1] =	wrdreg $0xFFFFFFFF  }
0xc2: {  	_ =	task.clear_ibuf [dreg:s7], $0x2FFFF;
	_ =	strace $0x9FFFFFFF  }
0xc3: {  	(tm) =	ssettm $0x7FFFFFFF  }
tec
execute0_lowered:
.L_overlay_start_1:
0x0: {  	(tag) =	ssettag $0x1  }
0x1: {  	s6 =	rddreg [dreg:$0x0]  }
0x2: {  	s8 =	rddreg [dreg:$0x1]  }
0x3: {  	s2 =	rddreg [dreg:$0x2]  }
0x4: {  	s0 =	rddreg [dreg:$0x3]  }
0x5: {  	s4 =	srdreg.scid;
	s1 =	stileid.u32  }
0x6: {  	s3 =	simm.s32 $0x0;
	s15 =	simm.s32 $0x1;
	s16 =	simm.s32 $0x80  }
0x7: {  	s18 =	simm.s32 $0x0;
	s7 =	sand.u32 $0x1, s4;
	s9 =	smul.u32 $0x2780, s1  }
0x8: {  	[smem:$0x7FF] =	sst s3;
	s4 =	sadd.s32 $0x2E00, s6;
	s5 =	sadd.s32 $0x2C00, s6  }
0x9: {  	s17 =	sshll.u32 s1, $0x6;
	s10 =	smul.u32 $0x27800, s7;
	s11 =	ssub.s32 $0x2, s7  }
0xa: {  	_ =	strace $0x80000047;
	s7 =	sshll.u32 s7, $0x4;
	s12 =	sshrl.u32 s11, $0x1  }
0xb: {  	s13 =	sor.u32 s1, s7;
	s31 =	sadd.s32 s9, s2;
	s10 =	sadd.s32 s9, s10  }
0xc: {  	p0 =	slt.u32 s13, $0x4;
	s7 =	smul.u32 $0x2700, s13;
	s11 =	ssub.s32 s11, s12  }
0xd: {  	s9 =	sshrl.u32 s9, $0x3;
	s12 =	sshrl.u32 s31, $0x3;
	s10 =	sshrl.u32 s10, $0x3  }
0xe: {  	s9 =	sadd.s32 s8, s9;
	s11 =	smax.u32 s11, $0x1;
	s10 =	sadd.s32 s10, s6  }
0xf: {  	s6 =	simm.s32 $0x4F;
	s14 =	sshrl.u32 s7, $0x3;
	s7 =	sor.u32 $0x1C01, s17  }
0x10: {  	s9 =	sadd.s32 $0x9C40, s9;
	s17 =	sor.u32 $0x1C02, s17;
	s6 =	simm.s32 @!p0 $0x4E  }
0x11: {  	s14 =	sadd.s32 s8, s14;
	s10 =	sadd.s32 $0x3400, s10;
	p0 =	sgt.u32 s13, $0x3  }
0x12: {  	s13 =	simm.s32 $0x2780;
	s8 =	sadd.s32 $0x9C80, s14;
	s14 =	simm.s32 $0x2  }
.LBB2_1:
0x13: {  	[spmem:s12], [sflag:s7] =	dma.local [hbm:s4], $0x4F0  }
0x14: {  	[tilespmem:s13], [sflag:$0x2] =	stream.linear.gather [hbm4b:s5+s3], $0x800, $0x38;
	[tilespmem:$0x5700] =	vst v63  }
0x15: {  	_ =	swait.ge [sflag:s14], $0x800  }
0x16: {  	[sflag:s14] =	ssyncset.done $0x0  }
0x17: {  	s19 =	simm.s32 @p0 $0x0;
	[sflag:s14] =	ssyncadd.s32 $0xFFFFF800  }
0x18: {  	[tilespmem:s19], [sflag:$0x2] =	stream.linear.gather @p0 [hbm4b:s8+s19], $0x2700, $0x38;
	[tilespmem:$0x5700] =	vst v63  }
0x19: {  	s19 =	simm.s32 @p0 $0x2  }
0x1a: {  	_ =	swait.ge @p0 [sflag:s19], $0x2700  }
0x1b: {  	[sflag:s19] =	ssyncset.done @p0 $0x0  }
0x1c: {  	[sflag:s19] =	ssyncadd.s32 @p0 $0xFFFFD900;
	s19 =	simm.s32 @!p0 $0x0  }
0x1d: {  	[tilespmem:s19], [sflag:$0x2] =	stream.linear.gather @!p0 [hbm4b:s9+s19], $0x2780, $0x38;
	[tilespmem:$0x5700] =	vst v63  }
0x1e: {  	s19 =	simm.s32 @!p0 $0x2  }
0x1f: {  	_ =	swait.ge @!p0 [sflag:s19], $0x2780  }
0x20: {  	[sflag:s19] =	ssyncset.done @!p0 $0x0  }
0x21: {  	[sflag:s19] =	ssyncadd.s32 @!p0 $0xFFFFD880  }
0x22: {  	_ =	swait.ge [sflag:s15], $0x4F0  }
0x23: {  	p1 =	sne.s32 s6, $0x1;
	[sflag:s15] =	ssyncset.done $0x0  }
.Ltmp0:
0x24: {  	[sflag:s15] =	ssyncadd.s32 $0xFFFFFB10;
	(pc) =	sbr.rel @!p1 .LBB2_3-.Ltmp0, $4  }
0x25: {  	[bflag:$0x0] =	sbarrier.arrive $0xFFFF  }
0x26: {  	[spmem:s2] =	stream.indirect.scatter.add.f32 [tilespmem:s13], [sflag:$0x2], $0x10, s3, s16, $0xb8;
	[tilespmem:$0x5700] =	vst v63  }
0x27: {  	_ =	swait.ge [sflag:s14], $0x800  }
0x28: {  	s20 =	simm.s32 $0x0;
	s19 =	sadd.s32 $0xFFFFFFFF, s6;
	[sflag:s14] =	ssyncset.done $0x0  }
.LBB2_2:
0x29: {  	p1 =	sne.s32 s19, $0x1;
	[sflag:s14] =	ssyncadd.s32 $0xFFFFF800;
	s20 =	sadd.s32 $0x80, s20  }
.Ltmp1:
0x2a: {  	s19 =	sadd.s32 $0xFFFFFFFF, s19;
	(pc) =	sbr.rel @p1 .LBB2_2-.Ltmp1, $4  }
0x2b: {  	_ = 	snop  }
0x2c: {  	[spmem:s2] =	stream.indirect.scatter.add.f32 [tilespmem:s13], [sflag:$0x2], $0x10, s20, s16, $0xb8;
	[tilespmem:$0x5700] =	vst v63  }
0x2d: {  	_ =	swait.ge [sflag:s14], $0x800  }
0x2e: {  	[sflag:s14] =	ssyncset.done $0x0  }
.LBB2_3:
0x2f: {  	s18 =	sadd.s32 $0x1, s18  }
0x30: {  	[sflag:s14] =	ssyncadd.s32 $0xFFFFF800;
	p1 =	sne.s32 s18, s11  }
.Ltmp2:
0x31: {  	[bflag:$0x0] =	sbarrier.arrive $0xFFFF;
	(pc) =	sbr.rel @p1 .LBB2_1-.Ltmp2, $4  }
0x32: {  	[hbm:s10], [sflag:s17] =	dma.local [spmem:s12], $0x4F0  }
0x33: {  	_ =	swait.ge [sflag:s14], $0x4F0  }
0x34: {  	[sflag:s14] =	ssyncset.done $0x0  }
0x35: {  	[sflag:s14] =	ssyncadd.s32 $0xFFFFFB10  }
0x36: {  	_ =	sfence.sel $0x180000  }
0x37: {  	[bflag:$0x0] =	sbarrier.arrive $0xFFFF  }
0x38: {  	p0 =	sne.s32 s1, $0x0;
	_ =	strace $0x90000047  }
0x39: {  	s0 =	sadd.s32 @!p0 $0x100000, s0;
	[bflag:$0x2] =	sbarrier.arrive $0xFFFF  }
0x3a: {  	[sflag:s0] =	ssyncadd.tile.s32 @!p0 $0x1;
	_ =	shalt  }
.Lfunc_end2:
_tile_overlayer_lowered:
.L_overlay_start_2:
0x3b: {  	(tag) =	ssettag $0x2  }
0x3c: {  	s0 =	rddreg [dreg:$0x0];
	s2 =	stileid.u32  }
0x3d: {  	s1 =	rddreg [dreg:$0x1];
	p0 =	sne.s32 s2, $0x0  }
0x3e: {  	s3 =	rddreg [dreg:$0x2];
	[bflag:$0x3] =	sbarrier.arrive $0xFFFF;
	s2 =	simm.s32 @!p0 $0x1C02  }
0x3f: {  	[timem:s3], [sflag:s2] =	dma.local @!p0 [hbm:s0], s1  }
0x40: {  	s0 =	simm.s32 @!p0 $0x2  }
0x41: {  	_ =	swait.ge @!p0 [sflag:s0], s1  }
0x42: {  	s1 =	ssub.s32 @!p0 $0x0, s1;
	[sflag:s0] =	ssyncset.done @!p0 $0x0  }
0x43: {  	[sflag:s0] =	ssyncadd.s32 @!p0 s1  }
0x44: {  	[bflag:$0x3] =	sbarrier.arrive $0xFFFF  }
0x45: {  	_ =	shalt  }

</sc_bundles>
